<compile_context>
chip_gen: v7x
topology: tpu7x:2x2x1
jax: 0.10.2.dev20260603
libtpu: 0.0.44.dev20260713+nightly
codegen_flags: <defaults>
</compile_context>

<pallas_src>
import jax
import jax.numpy as jnp
from jax import lax
from jax.experimental import pallas as pl
from jax.experimental.pallas import tpu as pltpu
from jax.experimental.pallas import tpu_sc as plsc

T = 128
D = 1024
FF = 512
E = 64
K = 8
EB = 2
EH = E // 2
NSH = EH // EB

_info = plsc.get_sparse_core_info()
_NC = _info.num_cores
_NW = _NC * _info.num_subcores
_TPW = T // _NW
_APW = _TPW * K


def _sc_dispatch_body(idx_hbm, wts_hbm, coef_hbm, idx_v, wts_v, buf):
    wid = lax.axis_index("s") * _NC + lax.axis_index("c")
    base_t = wid * _TPW
    base_a = wid * _APW
    pltpu.sync_copy(idx_hbm.at[pl.ds(base_a, _APW)], idx_v)
    pltpu.sync_copy(wts_hbm.at[pl.ds(base_a, _APW)], wts_v)
    zero = jnp.zeros((16,), jnp.float32)
    lane16 = lax.iota(jnp.int32, 16)
    for r in range(_TPW):
        vi = idx_v[pl.ds((r // 2) * 16, 16)]
        vw = wts_v[pl.ds((r // 2) * 16, 16)]
        accs = [zero] * (E // 16)
        for k in range(K):
            lane = (r % 2) * K + k
            e_s = vi[lane]
            w_s = vw[lane]
            for c in range(E // 16):
                accs[c] = accs[c] + jnp.where(lane16 + c * 16 == e_s, w_s, 0.0)
        for c in range(E // 16):
            buf[pl.ds(r * E + c * 16, 16)] = accs[c]
    pltpu.sync_copy(buf, coef_hbm.at[pl.ds(base_t * E, _TPW * E)])


def _sc_dispatch(idx_flat, wts_flat):
    mesh = plsc.VectorSubcoreMesh(core_axis_name="c", subcore_axis_name="s")
    return pl.kernel(
        _sc_dispatch_body,
        out_type=jax.ShapeDtypeStruct((T * E,), jnp.float32),
        mesh=mesh,
        scratch_types=[
            pltpu.VMEM((_APW,), jnp.int32),
            pltpu.VMEM((_APW,), jnp.float32),
            pltpu.VMEM((_TPW * E,), jnp.float32),
        ],
    )(idx_flat, wts_flat)


def _mlp(x, w1, w3, w2):
    g = lax.dot_general(x, w1, (((1,), (1,)), ((), ())),
                        preferred_element_type=jnp.float32)
    u = lax.dot_general(x, w3, (((1,), (1,)), ((), ())),
                        preferred_element_type=jnp.float32)
    h = jax.nn.gelu(g, approximate=True) * u
    return lax.dot_general(h, w2, (((1,), (1,)), ((), ())),
                           preferred_element_type=jnp.float32)


def _moe_body_inline(idx_ref, wts_ref, x_ref, w1_ref, w3_ref, w2_ref, out_ref):
    s = pl.program_id(0)
    x = x_ref[...]
    idx = idx_ref[...]
    wts = wts_ref[...]
    acc = jnp.zeros((T, D), jnp.float32)
    for j in range(EB):
        e = s * EB + j
        y = _mlp(x, w1_ref[j], w3_ref[j], w2_ref[j])
        coef = jnp.sum(jnp.where(idx == e, wts, 0.0), axis=1)
        acc = acc + coef[:, None] * y

    @pl.when(s == 0)
    def _():
        out_ref[...] = acc

    @pl.when(s != 0)
    def _():
        out_ref[...] += acc


def _moe_body_sc(coef_ref, x_ref, w1_ref, w3_ref, w2_ref, out_ref):
    s = pl.program_id(0)
    x = x_ref[...]
    acc = jnp.zeros((T, D), jnp.float32)
    for j in range(EB):
        lane = lax.broadcasted_iota(jnp.int32, (T, E), 1)
        col = jnp.sum(jnp.where(lane == EH + s * EB + j, coef_ref[...], 0.0),
                      axis=1, keepdims=True)
        y = _mlp(x, w1_ref[j], w3_ref[j], w2_ref[j])
        acc = acc + col * y

    @pl.when(s == 0)
    def _():
        out_ref[...] = acc

    @pl.when(s != 0)
    def _():
        out_ref[...] += acc


def kernel(hidden_states, top_k_index, top_k_weights, w1_weight, w2_weight, w3_weight):
    top_k_index = top_k_index.astype(jnp.int32)
    idx_flat = top_k_index.reshape(T * K)
    wts_flat = top_k_weights.reshape(T * K)
    coef = _sc_dispatch(idx_flat, wts_flat).reshape(T, E)

    out1 = pl.pallas_call(
        _moe_body_inline,
        grid=(NSH,),
        in_specs=[
            pl.BlockSpec((T, K), lambda s: (0, 0)),
            pl.BlockSpec((T, K), lambda s: (0, 0)),
            pl.BlockSpec((T, D), lambda s: (0, 0)),
            pl.BlockSpec((EB, FF, D), lambda s: (s, 0, 0)),
            pl.BlockSpec((EB, FF, D), lambda s: (s, 0, 0)),
            pl.BlockSpec((EB, D, FF), lambda s: (s, 0, 0)),
        ],
        out_specs=pl.BlockSpec((T, D), lambda s: (0, 0)),
        out_shape=jax.ShapeDtypeStruct((T, D), jnp.float32),
    )(top_k_index, top_k_weights, hidden_states,
      w1_weight, w3_weight, w2_weight)

    out2 = pl.pallas_call(
        _moe_body_sc,
        grid=(NSH,),
        in_specs=[
            pl.BlockSpec((T, E), lambda s: (0, 0)),
            pl.BlockSpec((T, D), lambda s: (0, 0)),
            pl.BlockSpec((EB, FF, D), lambda s: (s + NSH, 0, 0)),
            pl.BlockSpec((EB, FF, D), lambda s: (s + NSH, 0, 0)),
            pl.BlockSpec((EB, D, FF), lambda s: (s + NSH, 0, 0)),
        ],
        out_specs=pl.BlockSpec((T, D), lambda s: (0, 0)),
        out_shape=jax.ShapeDtypeStruct((T, D), jnp.float32),
    )(coef, hidden_states, w1_weight, w3_weight, w2_weight)

    return out1 + out2

# --- scband reference (transcript-rebuilt; emitter-appended) ---
"""Pipeline reference for scband-gemma4-mo-eblock-30288109371940 (READ-ONLY COPY).

The authoritative reference and input builder live on the scoring server;
editing this copy changes nothing except your own understanding.
"""

import jax, jax.numpy as jnp
import numpy as np

T = 128      # decode tokens (batch=128, q_len=1)
D = 1024     # hidden_size
FF = 512     # expert_intermediate_size
E = 64       # num_experts
K = 8        # top_k_experts


def setup_inputs(seed: int = 0) -> dict:
    key = jax.random.key(seed)
    ks = jax.random.split(key, 6)
    hidden_states = jax.random.normal(ks[0], (T, D), dtype=jnp.float32)
    top_k_index = jax.random.randint(ks[1], (T, K), 0, E)
    top_k_weights = jax.random.uniform(ks[2], (T, K), dtype=jnp.float32)
    # Stacked per-expert weights (equivalent to the per-expert nn.Linear weights)
    # gate_proj.weight: [FF, D], up_proj.weight: [FF, D], down_proj.weight: [D, FF]
    w1_weight = jax.random.normal(ks[3], (E, FF, D), dtype=jnp.float32) * 0.02
    w3_weight = jax.random.normal(ks[4], (E, FF, D), dtype=jnp.float32) * 0.02
    w2_weight = jax.random.normal(ks[5], (E, D, FF), dtype=jnp.float32) * 0.02
    return {
        "hidden_states": hidden_states,
        "top_k_index": top_k_index,
        "top_k_weights": top_k_weights,
        "w1_weight": w1_weight,
        "w2_weight": w2_weight,
        "w3_weight": w3_weight,
    }


def reference(hidden_states, top_k_index, top_k_weights, w1_weight, w2_weight, w3_weight):
    # torch_moe with is_gated_mlp=True, act_fn=Gelu (gelu_pytorch_tanh):
    # out[t] = sum_k top_k_weights[t,k] * down_e( gelu(gate_e(x_t)) * up_e(x_t) ),  e = top_k_index[t,k]
    out = jnp.zeros_like(hidden_states)
    for e in range(E):
        mask = (top_k_index == e).astype(hidden_states.dtype)   # [T, K]
        coef = jnp.sum(top_k_weights * mask, axis=-1)           # [T]
        g = jax.nn.gelu(hidden_states @ w1_weight[e].T, approximate=True)  # gate_proj
        u = hidden_states @ w3_weight[e].T                                  # up_proj
        y = (g * u) @ w2_weight[e].T                                        # down_proj
        out = out + coef[:, None] * y
    return out

if __name__ == "__main__":
    import jax
    _d = setup_inputs()
    print(jax.jit(kernel)(*tuple(_d.values())))

</pallas_src>

<mosaic_0001>
#map = affine_map<(d0, d1) -> (0)>
module attributes {stable_mosaic.version = 14 : i64} {
  func.func @_sc_dispatch_body(%arg0: i32, %arg1: i32, %arg2: memref<1024xi32, #tpu.memory_space<hbm>>, %arg3: memref<1024xf32, #tpu.memory_space<hbm>>, %arg4: memref<8192xf32, #tpu.memory_space<hbm>>, %arg5: memref<32xi32, #tpu.memory_space<vmem>>, %arg6: memref<32xf32, #tpu.memory_space<vmem>>, %arg7: memref<256xf32, #tpu.memory_space<vmem>>) attributes {dimension_semantics = [#tpu.dimension_semantics<core_parallel>, #tpu.dimension_semantics<subcore_parallel>], iteration_bounds = array<i64: 2, 16>, scalar_prefetch = 0 : i64, scratch_operands = 3 : i64, tpu.core_type = #tpu.core_type<sc_vector_subcore>, window_params = [{transform_indices = #map}, {transform_indices = #map}, {transform_indices = #map}]} {
    %mul3A = arith.constant 2 : i32
    %mul3A_0 = arith.muli %arg1, %mul3A : i32
    %add3A = arith.addi %mul3A_0, %arg0 : i32
    %mul3A_1 = arith.constant 4 : i32
    %mul3A_2 = arith.muli %add3A, %mul3A_1 : i32
    %mul3A_3 = arith.constant 32 : i32
    %mul3A_4 = arith.muli %add3A, %mul3A_3 : i32
    "tpu.region"() ({
      %run_scoped3A = tpu.sem_alloc : memref<!tpu.dma_semaphore, #tpu.memory_space<semaphore_mem>>
      %dma_start3A = tpu.memref_slice %arg2[%mul3A_4] : memref<1024xi32, #tpu.memory_space<hbm>> -> memref<32xi32, #tpu.memory_space<hbm>>
      %dma_start3A_1497 = tpu.memref_slice %arg2[%mul3A_4] : memref<1024xi32, #tpu.memory_space<hbm>> -> memref<32xi32, #tpu.memory_space<hbm>>
      tpu.enqueue_dma source(%dma_start3A_1497 : memref<32xi32, #tpu.memory_space<hbm>>) target(%arg5 : memref<32xi32, #tpu.memory_space<vmem>>) target_semaphore(%run_scoped3A : memref<!tpu.dma_semaphore, #tpu.memory_space<semaphore_mem>>)
      %dma_wait3A = tpu.memref_slice %arg2[%mul3A_4] : memref<1024xi32, #tpu.memory_space<hbm>> -> memref<32xi32, #tpu.memory_space<hbm>>
      %dma_wait3A_1498 = tpu.memref_slice %arg2[%mul3A_4] : memref<1024xi32, #tpu.memory_space<hbm>> -> memref<32xi32, #tpu.memory_space<hbm>>
      tpu.wait_dma2 semaphore(%run_scoped3A : memref<!tpu.dma_semaphore, #tpu.memory_space<semaphore_mem>>) src(%dma_wait3A_1498 : memref<32xi32, #tpu.memory_space<hbm>>) dst(%arg5 : memref<32xi32, #tpu.memory_space<vmem>>)
      tpu.yield
    }) : () -> ()
    "tpu.region"() ({
      %run_scoped3A = tpu.sem_alloc : memref<!tpu.dma_semaphore, #tpu.memory_space<semaphore_mem>>
      %dma_start3A = tpu.memref_slice %arg3[%mul3A_4] : memref<1024xf32, #tpu.memory_space<hbm>> -> memref<32xf32, #tpu.memory_space<hbm>>
      %dma_start3A_1497 = tpu.memref_slice %arg3[%mul3A_4] : memref<1024xf32, #tpu.memory_space<hbm>> -> memref<32xf32, #tpu.memory_space<hbm>>
      tpu.enqueue_dma source(%dma_start3A_1497 : memref<32xf32, #tpu.memory_space<hbm>>) target(%arg6 : memref<32xf32, #tpu.memory_space<vmem>>) target_semaphore(%run_scoped3A : memref<!tpu.dma_semaphore, #tpu.memory_space<semaphore_mem>>)
      %dma_wait3A = tpu.memref_slice %arg3[%mul3A_4] : memref<1024xf32, #tpu.memory_space<hbm>> -> memref<32xf32, #tpu.memory_space<hbm>>
      %dma_wait3A_1498 = tpu.memref_slice %arg3[%mul3A_4] : memref<1024xf32, #tpu.memory_space<hbm>> -> memref<32xf32, #tpu.memory_space<hbm>>
      tpu.wait_dma2 semaphore(%run_scoped3A : memref<!tpu.dma_semaphore, #tpu.memory_space<semaphore_mem>>) src(%dma_wait3A_1498 : memref<32xf32, #tpu.memory_space<hbm>>) dst(%arg6 : memref<32xf32, #tpu.memory_space<vmem>>)
      tpu.yield
    }) : () -> ()
    %broadcast_in_dim3A = arith.constant 0.000000e+00 : f32
    %broadcast_in_dim3A_5 = vector.broadcast %broadcast_in_dim3A : f32 to vector<16xf32>
    %iota3A = tpu.iota {dimensions = array<i32: 0>} : vector<16xi32>
    %get3A = arith.constant 0 : index
    %get3A_6 = tpu.vector_load %arg5[%get3A] {strides = array<i32>} : memref<32xi32, #tpu.memory_space<vmem>>, vector<16xi32>,
    %get3A_7 = vector.shape_cast %get3A_6 : vector<16xi32> to vector<16xi32>
    %get3A_8 = arith.constant 0 : index
    %get3A_9 = tpu.vector_load %arg6[%get3A_8] {strides = array<i32>} : memref<32xf32, #tpu.memory_space<vmem>>, vector<16xf32>,
    %get3A_10 = vector.shape_cast %get3A_9 : vector<16xf32> to vector<16xf32>
    %slice3A = vector.extract_strided_slice %get3A_7 {offsets = [0], sizes = [1], strides = [1]} : vector<16xi32> to vector<1xi32>
    %squeeze3A = vector.extract %slice3A[0] : i32 from vector<1xi32>
    %slice3A_11 = vector.extract_strided_slice %get3A_10 {offsets = [0], sizes = [1], strides = [1]} : vector<16xf32> to vector<1xf32>
    %squeeze3A_12 = vector.extract %slice3A_11[0] : f32 from vector<1xf32>
    %add3A_13 = arith.constant 0 : i32
    %add3A_14 = vector.broadcast %add3A_13 : i32 to vector<16xi32>
    %add3A_15 = arith.addi %iota3A, %add3A_14 : vector<16xi32>
    %eq3A = vector.broadcast %squeeze3A : i32 to vector<16xi32>
    %eq3A_16 = arith.cmpi eq, %add3A_15, %eq3A : vector<16xi32>
    %jit3A = arith.constant 0.000000e+00 : f32
    %broadcast_in_dim3A_17 = vector.broadcast %squeeze3A_12 : f32 to vector<16xf32>
    %broadcast_in_dim3A_18 = vector.broadcast %jit3A : f32 to vector<16xf32>
    %select_n3A = arith.select %eq3A_16, %broadcast_in_dim3A_17, %broadcast_in_dim3A_18 : vector<16xi1>, vector<16xf32>
    %add3A_19 = arith.addf %broadcast_in_dim3A_5, %select_n3A : vector<16xf32>
    %add3A_20 = arith.constant 16 : i32
    %add3A_21 = vector.broadcast %add3A_20 : i32 to vector<16xi32>
    %add3A_22 = arith.addi %iota3A, %add3A_21 : vector<16xi32>
    %eq3A_23 = vector.broadcast %squeeze3A : i32 to vector<16xi32>
    %eq3A_24 = arith.cmpi eq, %add3A_22, %eq3A_23 : vector<16xi32>
    %jit3A_25 = arith.constant 0.000000e+00 : f32
    %broadcast_in_dim3A_26 = vector.broadcast %squeeze3A_12 : f32 to vector<16xf32>
    %broadcast_in_dim3A_27 = vector.broadcast %jit3A_25 : f32 to vector<16xf32>
    %select_n3A_28 = arith.select %eq3A_24, %broadcast_in_dim3A_26, %broadcast_in_dim3A_27 : vector<16xi1>, vector<16xf32>
    %add3A_29 = arith.addf %broadcast_in_dim3A_5, %select_n3A_28 : vector<16xf32>
    %add3A_30 = arith.constant 32 : i32
    %add3A_31 = vector.broadcast %add3A_30 : i32 to vector<16xi32>
    %add3A_32 = arith.addi %iota3A, %add3A_31 : vector<16xi32>
    %eq3A_33 = vector.broadcast %squeeze3A : i32 to vector<16xi32>
    %eq3A_34 = arith.cmpi eq, %add3A_32, %eq3A_33 : vector<16xi32>
    %jit3A_35 = arith.constant 0.000000e+00 : f32
    %broadcast_in_dim3A_36 = vector.broadcast %squeeze3A_12 : f32 to vector<16xf32>
    %broadcast_in_dim3A_37 = vector.broadcast %jit3A_35 : f32 to vector<16xf32>
    %select_n3A_38 = arith.select %eq3A_34, %broadcast_in_dim3A_36, %broadcast_in_dim3A_37 : vector<16xi1>, vector<16xf32>
    %add3A_39 = arith.addf %broadcast_in_dim3A_5, %select_n3A_38 : vector<16xf32>
    %add3A_40 = arith.constant 48 : i32
    %add3A_41 = vector.broadcast %add3A_40 : i32 to vector<16xi32>
    %add3A_42 = arith.addi %iota3A, %add3A_41 : vector<16xi32>
    %eq3A_43 = vector.broadcast %squeeze3A : i32 to vector<16xi32>
    %eq3A_44 = arith.cmpi eq, %add3A_42, %eq3A_43 : vector<16xi32>
    %jit3A_45 = arith.constant 0.000000e+00 : f32
    %broadcast_in_dim3A_46 = vector.broadcast %squeeze3A_12 : f32 to vector<16xf32>
    %broadcast_in_dim3A_47 = vector.broadcast %jit3A_45 : f32 to vector<16xf32>
    %select_n3A_48 = arith.select %eq3A_44, %broadcast_in_dim3A_46, %broadcast_in_dim3A_47 : vector<16xi1>, vector<16xf32>
    %add3A_49 = arith.addf %broadcast_in_dim3A_5, %select_n3A_48 : vector<16xf32>
    %slice3A_50 = vector.extract_strided_slice %get3A_7 {offsets = [1], sizes = [1], strides = [1]} : vector<16xi32> to vector<1xi32>
    %squeeze3A_51 = vector.extract %slice3A_50[0] : i32 from vector<1xi32>
    %slice3A_52 = vector.extract_strided_slice %get3A_10 {offsets = [1], sizes = [1], strides = [1]} : vector<16xf32> to vector<1xf32>
    %squeeze3A_53 = vector.extract %slice3A_52[0] : f32 from vector<1xf32>
    %add3A_54 = arith.constant 0 : i32
    %add3A_55 = vector.broadcast %add3A_54 : i32 to vector<16xi32>
    %add3A_56 = arith.addi %iota3A, %add3A_55 : vector<16xi32>
    %eq3A_57 = vector.broadcast %squeeze3A_51 : i32 to vector<16xi32>
    %eq3A_58 = arith.cmpi eq, %add3A_56, %eq3A_57 : vector<16xi32>
    %jit3A_59 = arith.constant 0.000000e+00 : f32
    %broadcast_in_dim3A_60 = vector.broadcast %squeeze3A_53 : f32 to vector<16xf32>
    %broadcast_in_dim3A_61 = vector.broadcast %jit3A_59 : f32 to vector<16xf32>
    %select_n3A_62 = arith.select %eq3A_58, %broadcast_in_dim3A_60, %broadcast_in_dim3A_61 : vector<16xi1>, vector<16xf32>
    %add3A_63 = arith.addf %add3A_19, %select_n3A_62 : vector<16xf32>
    %add3A_64 = arith.constant 16 : i32
    %add3A_65 = vector.broadcast %add3A_64 : i32 to vector<16xi32>
    %add3A_66 = arith.addi %iota3A, %add3A_65 : vector<16xi32>
    %eq3A_67 = vector.broadcast %squeeze3A_51 : i32 to vector<16xi32>
    %eq3A_68 = arith.cmpi eq, %add3A_66, %eq3A_67 : vector<16xi32>
    %jit3A_69 = arith.constant 0.000000e+00 : f32
    %broadcast_in_dim3A_70 = vector.broadcast %squeeze3A_53 : f32 to vector<16xf32>
    %broadcast_in_dim3A_71 = vector.broadcast %jit3A_69 : f32 to vector<16xf32>
    %select_n3A_72 = arith.select %eq3A_68, %broadcast_in_dim3A_70, %broadcast_in_dim3A_71 : vector<16xi1>, vector<16xf32>
    %add3A_73 = arith.addf %add3A_29, %select_n3A_72 : vector<16xf32>
    %add3A_74 = arith.constant 32 : i32
    %add3A_75 = vector.broadcast %add3A_74 : i32 to vector<16xi32>
    %add3A_76 = arith.addi %iota3A, %add3A_75 : vector<16xi32>
    %eq3A_77 = vector.broadcast %squeeze3A_51 : i32 to vector<16xi32>
    %eq3A_78 = arith.cmpi eq, %add3A_76, %eq3A_77 : vector<16xi32>
    %jit3A_79 = arith.constant 0.000000e+00 : f32
    %broadcast_in_dim3A_80 = vector.broadcast %squeeze3A_53 : f32 to vector<16xf32>
    %broadcast_in_dim3A_81 = vector.broadcast %jit3A_79 : f32 to vector<16xf32>
    %select_n3A_82 = arith.select %eq3A_78, %broadcast_in_dim3A_80, %broadcast_in_dim3A_81 : vector<16xi1>, vector<16xf32>
    %add3A_83 = arith.addf %add3A_39, %select_n3A_82 : vector<16xf32>
    %add3A_84 = arith.constant 48 : i32
    %add3A_85 = vector.broadcast %add3A_84 : i32 to vector<16xi32>
    %add3A_86 = arith.addi %iota3A, %add3A_85 : vector<16xi32>
    %eq3A_87 = vector.broadcast %squeeze3A_51 : i32 to vector<16xi32>
    %eq3A_88 = arith.cmpi eq, %add3A_86, %eq3A_87 : vector<16xi32>
    %jit3A_89 = arith.constant 0.000000e+00 : f32
    %broadcast_in_dim3A_90 = vector.broadcast %squeeze3A_53 : f32 to vector<16xf32>
    %broadcast_in_dim3A_91 = vector.broadcast %jit3A_89 : f32 to vector<16xf32>
    %select_n3A_92 = arith.select %eq3A_88, %broadcast_in_dim3A_90, %broadcast_in_dim3A_91 : vector<16xi1>, vector<16xf32>
    %add3A_93 = arith.addf %add3A_49, %select_n3A_92 : vector<16xf32>
    %slice3A_94 = vector.extract_strided_slice %get3A_7 {offsets = [2], sizes = [1], strides = [1]} : vector<16xi32> to vector<1xi32>
    %squeeze3A_95 = vector.extract %slice3A_94[0] : i32 from vector<1xi32>
    %slice3A_96 = vector.extract_strided_slice %get3A_10 {offsets = [2], sizes = [1], strides = [1]} : vector<16xf32> to vector<1xf32>
    %squeeze3A_97 = vector.extract %slice3A_96[0] : f32 from vector<1xf32>
    %add3A_98 = arith.constant 0 : i32
    %add3A_99 = vector.broadcast %add3A_98 : i32 to vector<16xi32>
    %add3A_100 = arith.addi %iota3A, %add3A_99 : vector<16xi32>
    %eq3A_101 = vector.broadcast %squeeze3A_95 : i32 to vector<16xi32>
    %eq3A_102 = arith.cmpi eq, %add3A_100, %eq3A_101 : vector<16xi32>
    %jit3A_103 = arith.constant 0.000000e+00 : f32
    %broadcast_in_dim3A_104 = vector.broadcast %squeeze3A_97 : f32 to vector<16xf32>
    %broadcast_in_dim3A_105 = vector.broadcast %jit3A_103 : f32 to vector<16xf32>
    %select_n3A_106 = arith.select %eq3A_102, %broadcast_in_dim3A_104, %broadcast_in_dim3A_105 : vector<16xi1>, vector<16xf32>
    %add3A_107 = arith.addf %add3A_63, %select_n3A_106 : vector<16xf32>
    %add3A_108 = arith.constant 16 : i32
    %add3A_109 = vector.broadcast %add3A_108 : i32 to vector<16xi32>
    %add3A_110 = arith.addi %iota3A, %add3A_109 : vector<16xi32>
    %eq3A_111 = vector.broadcast %squeeze3A_95 : i32 to vector<16xi32>
    %eq3A_112 = arith.cmpi eq, %add3A_110, %eq3A_111 : vector<16xi32>
    %jit3A_113 = arith.constant 0.000000e+00 : f32
    %broadcast_in_dim3A_114 = vector.broadcast %squeeze3A_97 : f32 to vector<16xf32>
    %broadcast_in_dim3A_115 = vector.broadcast %jit3A_113 : f32 to vector<16xf32>
    %select_n3A_116 = arith.select %eq3A_112, %broadcast_in_dim3A_114, %broadcast_in_dim3A_115 : vector<16xi1>, vector<16xf32>
    %add3A_117 = arith.addf %add3A_73, %select_n3A_116 : vector<16xf32>
    %add3A_118 = arith.constant 32 : i32
    %add3A_119 = vector.broadcast %add3A_118 : i32 to vector<16xi32>
    %add3A_120 = arith.addi %iota3A, %add3A_119 : vector<16xi32>
    %eq3A_121 = vector.broadcast %squeeze3A_95 : i32 to vector<16xi32>
    %eq3A_122 = arith.cmpi eq, %add3A_120, %eq3A_121 : vector<16xi32>
    %jit3A_123 = arith.constant 0.000000e+00 : f32
    %broadcast_in_dim3A_124 = vector.broadcast %squeeze3A_97 : f32 to vector<16xf32>
    %broadcast_in_dim3A_125 = vector.broadcast %jit3A_123 : f32 to vector<16xf32>
    %select_n3A_126 = arith.select %eq3A_122, %broadcast_in_dim3A_124, %broadcast_in_dim3A_125 : vector<16xi1>, vector<16xf32>
    %add3A_127 = arith.addf %add3A_83, %select_n3A_126 : vector<16xf32>
    %add3A_128 = arith.constant 48 : i32
    %add3A_129 = vector.broadcast %add3A_128 : i32 to vector<16xi32>
    %add3A_130 = arith.addi %iota3A, %add3A_129 : vector<16xi32>
    %eq3A_131 = vector.broadcast %squeeze3A_95 : i32 to vector<16xi32>
    %eq3A_132 = arith.cmpi eq, %add3A_130, %eq3A_131 : vector<16xi32>
    %jit3A_133 = arith.constant 0.000000e+00 : f32
    %broadcast_in_dim3A_134 = vector.broadcast %squeeze3A_97 : f32 to vector<16xf32>
    %broadcast_in_dim3A_135 = vector.broadcast %jit3A_133 : f32 to vector<16xf32>
    %select_n3A_136 = arith.select %eq3A_132, %broadcast_in_dim3A_134, %broadcast_in_dim3A_135 : vector<16xi1>, vector<16xf32>
    %add3A_137 = arith.addf %add3A_93, %select_n3A_136 : vector<16xf32>
    %slice3A_138 = vector.extract_strided_slice %get3A_7 {offsets = [3], sizes = [1], strides = [1]} : vector<16xi32> to vector<1xi32>
    %squeeze3A_139 = vector.extract %slice3A_138[0] : i32 from vector<1xi32>
    %slice3A_140 = vector.extract_strided_slice %get3A_10 {offsets = [3], sizes = [1], strides = [1]} : vector<16xf32> to vector<1xf32>
    %squeeze3A_141 = vector.extract %slice3A_140[0] : f32 from vector<1xf32>
    %add3A_142 = arith.constant 0 : i32
    %add3A_143 = vector.broadcast %add3A_142 : i32 to vector<16xi32>
    %add3A_144 = arith.addi %iota3A, %add3A_143 : vector<16xi32>
    %eq3A_145 = vector.broadcast %squeeze3A_139 : i32 to vector<16xi32>
    %eq3A_146 = arith.cmpi eq, %add3A_144, %eq3A_145 : vector<16xi32>
    %jit3A_147 = arith.constant 0.000000e+00 : f32
    %broadcast_in_dim3A_148 = vector.broadcast %squeeze3A_141 : f32 to vector<16xf32>
    %broadcast_in_dim3A_149 = vector.broadcast %jit3A_147 : f32 to vector<16xf32>
    %select_n3A_150 = arith.select %eq3A_146, %broadcast_in_dim3A_148, %broadcast_in_dim3A_149 : vector<16xi1>, vector<16xf32>
    %add3A_151 = arith.addf %add3A_107, %select_n3A_150 : vector<16xf32>
    %add3A_152 = arith.constant 16 : i32
    %add3A_153 = vector.broadcast %add3A_152 : i32 to vector<16xi32>
    %add3A_154 = arith.addi %iota3A, %add3A_153 : vector<16xi32>
    %eq3A_155 = vector.broadcast %squeeze3A_139 : i32 to vector<16xi32>
    %eq3A_156 = arith.cmpi eq, %add3A_154, %eq3A_155 : vector<16xi32>
    %jit3A_157 = arith.constant 0.000000e+00 : f32
    %broadcast_in_dim3A_158 = vector.broadcast %squeeze3A_141 : f32 to vector<16xf32>
    %broadcast_in_dim3A_159 = vector.broadcast %jit3A_157 : f32 to vector<16xf32>
    %select_n3A_160 = arith.select %eq3A_156, %broadcast_in_dim3A_158, %broadcast_in_dim3A_159 : vector<16xi1>, vector<16xf32>
    %add3A_161 = arith.addf %add3A_117, %select_n3A_160 : vector<16xf32>
    %add3A_162 = arith.constant 32 : i32
    %add3A_163 = vector.broadcast %add3A_162 : i32 to vector<16xi32>
    %add3A_164 = arith.addi %iota3A, %add3A_163 : vector<16xi32>
    %eq3A_165 = vector.broadcast %squeeze3A_139 : i32 to vector<16xi32>
    %eq3A_166 = arith.cmpi eq, %add3A_164, %eq3A_165 : vector<16xi32>
    %jit3A_167 = arith.constant 0.000000e+00 : f32
    %broadcast_in_dim3A_168 = vector.broadcast %squeeze3A_141 : f32 to vector<16xf32>
    %broadcast_in_dim3A_169 = vector.broadcast %jit3A_167 : f32 to vector<16xf32>
    %select_n3A_170 = arith.select %eq3A_166, %broadcast_in_dim3A_168, %broadcast_in_dim3A_169 : vector<16xi1>, vector<16xf32>
    %add3A_171 = arith.addf %add3A_127, %select_n3A_170 : vector<16xf32>
    %add3A_172 = arith.constant 48 : i32
    %add3A_173 = vector.broadcast %add3A_172 : i32 to vector<16xi32>
    %add3A_174 = arith.addi %iota3A, %add3A_173 : vector<16xi32>
    %eq3A_175 = vector.broadcast %squeeze3A_139 : i32 to vector<16xi32>
    %eq3A_176 = arith.cmpi eq, %add3A_174, %eq3A_175 : vector<16xi32>
    %jit3A_177 = arith.constant 0.000000e+00 : f32
    %broadcast_in_dim3A_178 = vector.broadcast %squeeze3A_141 : f32 to vector<16xf32>
    %broadcast_in_dim3A_179 = vector.broadcast %jit3A_177 : f32 to vector<16xf32>
    %select_n3A_180 = arith.select %eq3A_176, %broadcast_in_dim3A_178, %broadcast_in_dim3A_179 : vector<16xi1>, vector<16xf32>
    %add3A_181 = arith.addf %add3A_137, %select_n3A_180 : vector<16xf32>
    %slice3A_182 = vector.extract_strided_slice %get3A_7 {offsets = [4], sizes = [1], strides = [1]} : vector<16xi32> to vector<1xi32>
    %squeeze3A_183 = vector.extract %slice3A_182[0] : i32 from vector<1xi32>
    %slice3A_184 = vector.extract_strided_slice %get3A_10 {offsets = [4], sizes = [1], strides = [1]} : vector<16xf32> to vector<1xf32>
    %squeeze3A_185 = vector.extract %slice3A_184[0] : f32 from vector<1xf32>
    %add3A_186 = arith.constant 0 : i32
    %add3A_187 = vector.broadcast %add3A_186 : i32 to vector<16xi32>
    %add3A_188 = arith.addi %iota3A, %add3A_187 : vector<16xi32>
    %eq3A_189 = vector.broadcast %squeeze3A_183 : i32 to vector<16xi32>
    %eq3A_190 = arith.cmpi eq, %add3A_188, %eq3A_189 : vector<16xi32>
    %jit3A_191 = arith.constant 0.000000e+00 : f32
    %broadcast_in_dim3A_192 = vector.broadcast %squeeze3A_185 : f32 to vector<16xf32>
    %broadcast_in_dim3A_193 = vector.broadcast %jit3A_191 : f32 to vector<16xf32>
    %select_n3A_194 = arith.select %eq3A_190, %broadcast_in_dim3A_192, %broadcast_in_dim3A_193 : vector<16xi1>, vector<16xf32>
    %add3A_195 = arith.addf %add3A_151, %select_n3A_194 : vector<16xf32>
    %add3A_196 = arith.constant 16 : i32
    %add3A_197 = vector.broadcast %add3A_196 : i32 to vector<16xi32>
    %add3A_198 = arith.addi %iota3A, %add3A_197 : vector<16xi32>
    %eq3A_199 = vector.broadcast %squeeze3A_183 : i32 to vector<16xi32>
    %eq3A_200 = arith.cmpi eq, %add3A_198, %eq3A_199 : vector<16xi32>
    %jit3A_201 = arith.constant 0.000000e+00 : f32
    %broadcast_in_dim3A_202 = vector.broadcast %squeeze3A_185 : f32 to vector<16xf32>
    %broadcast_in_dim3A_203 = vector.broadcast %jit3A_201 : f32 to vector<16xf32>
    %select_n3A_204 = arith.select %eq3A_200, %broadcast_in_dim3A_202, %broadcast_in_dim3A_203 : vector<16xi1>, vector<16xf32>
    %add3A_205 = arith.addf %add3A_161, %select_n3A_204 : vector<16xf32>
    %add3A_206 = arith.constant 32 : i32
    %add3A_207 = vector.broadcast %add3A_206 : i32 to vector<16xi32>
    %add3A_208 = arith.addi %iota3A, %add3A_207 : vector<16xi32>
    %eq3A_209 = vector.broadcast %squeeze3A_183 : i32 to vector<16xi32>
    %eq3A_210 = arith.cmpi eq, %add3A_208, %eq3A_209 : vector<16xi32>
    %jit3A_211 = arith.constant 0.000000e+00 : f32
    %broadcast_in_dim3A_212 = vector.broadcast %squeeze3A_185 : f32 to vector<16xf32>
    %broadcast_in_dim3A_213 = vector.broadcast %jit3A_211 : f32 to vector<16xf32>
    %select_n3A_214 = arith.select %eq3A_210, %broadcast_in_dim3A_212, %broadcast_in_dim3A_213 : vector<16xi1>, vector<16xf32>
    %add3A_215 = arith.addf %add3A_171, %select_n3A_214 : vector<16xf32>
    %add3A_216 = arith.constant 48 : i32
    %add3A_217 = vector.broadcast %add3A_216 : i32 to vector<16xi32>
    %add3A_218 = arith.addi %iota3A, %add3A_217 : vector<16xi32>
    %eq3A_219 = vector.broadcast %squeeze3A_183 : i32 to vector<16xi32>
    %eq3A_220 = arith.cmpi eq, %add3A_218, %eq3A_219 : vector<16xi32>
    %jit3A_221 = arith.constant 0.000000e+00 : f32
    %broadcast_in_dim3A_222 = vector.broadcast %squeeze3A_185 : f32 to vector<16xf32>
    %broadcast_in_dim3A_223 = vector.broadcast %jit3A_221 : f32 to vector<16xf32>
    %select_n3A_224 = arith.select %eq3A_220, %broadcast_in_dim3A_222, %broadcast_in_dim3A_223 : vector<16xi1>, vector<16xf32>
    %add3A_225 = arith.addf %add3A_181, %select_n3A_224 : vector<16xf32>
    %slice3A_226 = vector.extract_strided_slice %get3A_7 {offsets = [5], sizes = [1], strides = [1]} : vector<16xi32> to vector<1xi32>
    %squeeze3A_227 = vector.extract %slice3A_226[0] : i32 from vector<1xi32>
    %slice3A_228 = vector.extract_strided_slice %get3A_10 {offsets = [5], sizes = [1], strides = [1]} : vector<16xf32> to vector<1xf32>
    %squeeze3A_229 = vector.extract %slice3A_228[0] : f32 from vector<1xf32>
    %add3A_230 = arith.constant 0 : i32
    %add3A_231 = vector.broadcast %add3A_230 : i32 to vector<16xi32>
    %add3A_232 = arith.addi %iota3A, %add3A_231 : vector<16xi32>
    %eq3A_233 = vector.broadcast %squeeze3A_227 : i32 to vector<16xi32>
    %eq3A_234 = arith.cmpi eq, %add3A_232, %eq3A_233 : vector<16xi32>
    %jit3A_235 = arith.constant 0.000000e+00 : f32
    %broadcast_in_dim3A_236 = vector.broadcast %squeeze3A_229 : f32 to vector<16xf32>
    %broadcast_in_dim3A_237 = vector.broadcast %jit3A_235 : f32 to vector<16xf32>
    %select_n3A_238 = arith.select %eq3A_234, %broadcast_in_dim3A_236, %broadcast_in_dim3A_237 : vector<16xi1>, vector<16xf32>
    %add3A_239 = arith.addf %add3A_195, %select_n3A_238 : vector<16xf32>
    %add3A_240 = arith.constant 16 : i32
    %add3A_241 = vector.broadcast %add3A_240 : i32 to vector<16xi32>
    %add3A_242 = arith.addi %iota3A, %add3A_241 : vector<16xi32>
    %eq3A_243 = vector.broadcast %squeeze3A_227 : i32 to vector<16xi32>
    %eq3A_244 = arith.cmpi eq, %add3A_242, %eq3A_243 : vector<16xi32>
    %jit3A_245 = arith.constant 0.000000e+00 : f32
    %broadcast_in_dim3A_246 = vector.broadcast %squeeze3A_229 : f32 to vector<16xf32>
    %broadcast_in_dim3A_247 = vector.broadcast %jit3A_245 : f32 to vector<16xf32>
    %select_n3A_248 = arith.select %eq3A_244, %broadcast_in_dim3A_246, %broadcast_in_dim3A_247 : vector<16xi1>, vector<16xf32>
    %add3A_249 = arith.addf %add3A_205, %select_n3A_248 : vector<16xf32>
    %add3A_250 = arith.constant 32 : i32
    %add3A_251 = vector.broadcast %add3A_250 : i32 to vector<16xi32>
    %add3A_252 = arith.addi %iota3A, %add3A_251 : vector<16xi32>
    %eq3A_253 = vector.broadcast %squeeze3A_227 : i32 to vector<16xi32>
    %eq3A_254 = arith.cmpi eq, %add3A_252, %eq3A_253 : vector<16xi32>
    %jit3A_255 = arith.constant 0.000000e+00 : f32
    %broadcast_in_dim3A_256 = vector.broadcast %squeeze3A_229 : f32 to vector<16xf32>
    %broadcast_in_dim3A_257 = vector.broadcast %jit3A_255 : f32 to vector<16xf32>
    %select_n3A_258 = arith.select %eq3A_254, %broadcast_in_dim3A_256, %broadcast_in_dim3A_257 : vector<16xi1>, vector<16xf32>
    %add3A_259 = arith.addf %add3A_215, %select_n3A_258 : vector<16xf32>
    %add3A_260 = arith.constant 48 : i32
    %add3A_261 = vector.broadcast %add3A_260 : i32 to vector<16xi32>
    %add3A_262 = arith.addi %iota3A, %add3A_261 : vector<16xi32>
    %eq3A_263 = vector.broadcast %squeeze3A_227 : i32 to vector<16xi32>
    %eq3A_264 = arith.cmpi eq, %add3A_262, %eq3A_263 : vector<16xi32>
    %jit3A_265 = arith.constant 0.000000e+00 : f32
    %broadcast_in_dim3A_266 = vector.broadcast %squeeze3A_229 : f32 to vector<16xf32>
    %broadcast_in_dim3A_267 = vector.broadcast %jit3A_265 : f32 to vector<16xf32>
    %select_n3A_268 = arith.select %eq3A_264, %broadcast_in_dim3A_266, %broadcast_in_dim3A_267 : vector<16xi1>, vector<16xf32>
    %add3A_269 = arith.addf %add3A_225, %select_n3A_268 : vector<16xf32>
    %slice3A_270 = vector.extract_strided_slice %get3A_7 {offsets = [6], sizes = [1], strides = [1]} : vector<16xi32> to vector<1xi32>
    %squeeze3A_271 = vector.extract %slice3A_270[0] : i32 from vector<1xi32>
    %slice3A_272 = vector.extract_strided_slice %get3A_10 {offsets = [6], sizes = [1], strides = [1]} : vector<16xf32> to vector<1xf32>
    %squeeze3A_273 = vector.extract %slice3A_272[0] : f32 from vector<1xf32>
    %add3A_274 = arith.constant 0 : i32
    %add3A_275 = vector.broadcast %add3A_274 : i32 to vector<16xi32>
    %add3A_276 = arith.addi %iota3A, %add3A_275 : vector<16xi32>
    %eq3A_277 = vector.broadcast %squeeze3A_271 : i32 to vector<16xi32>
    %eq3A_278 = arith.cmpi eq, %add3A_276, %eq3A_277 : vector<16xi32>
    %jit3A_279 = arith.constant 0.000000e+00 : f32
    %broadcast_in_dim3A_280 = vector.broadcast %squeeze3A_273 : f32 to vector<16xf32>
    %broadcast_in_dim3A_281 = vector.broadcast %jit3A_279 : f32 to vector<16xf32>
    %select_n3A_282 = arith.select %eq3A_278, %broadcast_in_dim3A_280, %broadcast_in_dim3A_281 : vector<16xi1>, vector<16xf32>
    %add3A_283 = arith.addf %add3A_239, %select_n3A_282 : vector<16xf32>
    %add3A_284 = arith.constant 16 : i32
    %add3A_285 = vector.broadcast %add3A_284 : i32 to vector<16xi32>
    %add3A_286 = arith.addi %iota3A, %add3A_285 : vector<16xi32>
    %eq3A_287 = vector.broadcast %squeeze3A_271 : i32 to vector<16xi32>
    %eq3A_288 = arith.cmpi eq, %add3A_286, %eq3A_287 : vector<16xi32>
    %jit3A_289 = arith.constant 0.000000e+00 : f32
    %broadcast_in_dim3A_290 = vector.broadcast %squeeze3A_273 : f32 to vector<16xf32>
    %broadcast_in_dim3A_291 = vector.broadcast %jit3A_289 : f32 to vector<16xf32>
    %select_n3A_292 = arith.select %eq3A_288, %broadcast_in_dim3A_290, %broadcast_in_dim3A_291 : vector<16xi1>, vector<16xf32>
    %add3A_293 = arith.addf %add3A_249, %select_n3A_292 : vector<16xf32>
    %add3A_294 = arith.constant 32 : i32
    %add3A_295 = vector.broadcast %add3A_294 : i32 to vector<16xi32>
    %add3A_296 = arith.addi %iota3A, %add3A_295 : vector<16xi32>
    %eq3A_297 = vector.broadcast %squeeze3A_271 : i32 to vector<16xi32>
    %eq3A_298 = arith.cmpi eq, %add3A_296, %eq3A_297 : vector<16xi32>
    %jit3A_299 = arith.constant 0.000000e+00 : f32
    %broadcast_in_dim3A_300 = vector.broadcast %squeeze3A_273 : f32 to vector<16xf32>
    %broadcast_in_dim3A_301 = vector.broadcast %jit3A_299 : f32 to vector<16xf32>
    %select_n3A_302 = arith.select %eq3A_298, %broadcast_in_dim3A_300, %broadcast_in_dim3A_301 : vector<16xi1>, vector<16xf32>
    %add3A_303 = arith.addf %add3A_259, %select_n3A_302 : vector<16xf32>
    %add3A_304 = arith.constant 48 : i32
    %add3A_305 = vector.broadcast %add3A_304 : i32 to vector<16xi32>
    %add3A_306 = arith.addi %iota3A, %add3A_305 : vector<16xi32>
    %eq3A_307 = vector.broadcast %squeeze3A_271 : i32 to vector<16xi32>
    %eq3A_308 = arith.cmpi eq, %add3A_306, %eq3A_307 : vector<16xi32>
    %jit3A_309 = arith.constant 0.000000e+00 : f32
    %broadcast_in_dim3A_310 = vector.broadcast %squeeze3A_273 : f32 to vector<16xf32>
    %broadcast_in_dim3A_311 = vector.broadcast %jit3A_309 : f32 to vector<16xf32>
    %select_n3A_312 = arith.select %eq3A_308, %broadcast_in_dim3A_310, %broadcast_in_dim3A_311 : vector<16xi1>, vector<16xf32>
    %add3A_313 = arith.addf %add3A_269, %select_n3A_312 : vector<16xf32>
    %slice3A_314 = vector.extract_strided_slice %get3A_7 {offsets = [7], sizes = [1], strides = [1]} : vector<16xi32> to vector<1xi32>
    %squeeze3A_315 = vector.extract %slice3A_314[0] : i32 from vector<1xi32>
    %slice3A_316 = vector.extract_strided_slice %get3A_10 {offsets = [7], sizes = [1], strides = [1]} : vector<16xf32> to vector<1xf32>
    %squeeze3A_317 = vector.extract %slice3A_316[0] : f32 from vector<1xf32>
    %add3A_318 = arith.constant 0 : i32
    %add3A_319 = vector.broadcast %add3A_318 : i32 to vector<16xi32>
    %add3A_320 = arith.addi %iota3A, %add3A_319 : vector<16xi32>
    %eq3A_321 = vector.broadcast %squeeze3A_315 : i32 to vector<16xi32>
    %eq3A_322 = arith.cmpi eq, %add3A_320, %eq3A_321 : vector<16xi32>
    %jit3A_323 = arith.constant 0.000000e+00 : f32
    %broadcast_in_dim3A_324 = vector.broadcast %squeeze3A_317 : f32 to vector<16xf32>
    %broadcast_in_dim3A_325 = vector.broadcast %jit3A_323 : f32 to vector<16xf32>
    %select_n3A_326 = arith.select %eq3A_322, %broadcast_in_dim3A_324, %broadcast_in_dim3A_325 : vector<16xi1>, vector<16xf32>
    %add3A_327 = arith.addf %add3A_283, %select_n3A_326 : vector<16xf32>
    %add3A_328 = arith.constant 16 : i32
    %add3A_329 = vector.broadcast %add3A_328 : i32 to vector<16xi32>
    %add3A_330 = arith.addi %iota3A, %add3A_329 : vector<16xi32>
    %eq3A_331 = vector.broadcast %squeeze3A_315 : i32 to vector<16xi32>
    %eq3A_332 = arith.cmpi eq, %add3A_330, %eq3A_331 : vector<16xi32>
    %jit3A_333 = arith.constant 0.000000e+00 : f32
    %broadcast_in_dim3A_334 = vector.broadcast %squeeze3A_317 : f32 to vector<16xf32>
    %broadcast_in_dim3A_335 = vector.broadcast %jit3A_333 : f32 to vector<16xf32>
    %select_n3A_336 = arith.select %eq3A_332, %broadcast_in_dim3A_334, %broadcast_in_dim3A_335 : vector<16xi1>, vector<16xf32>
    %add3A_337 = arith.addf %add3A_293, %select_n3A_336 : vector<16xf32>
    %add3A_338 = arith.constant 32 : i32
    %add3A_339 = vector.broadcast %add3A_338 : i32 to vector<16xi32>
    %add3A_340 = arith.addi %iota3A, %add3A_339 : vector<16xi32>
    %eq3A_341 = vector.broadcast %squeeze3A_315 : i32 to vector<16xi32>
    %eq3A_342 = arith.cmpi eq, %add3A_340, %eq3A_341 : vector<16xi32>
    %jit3A_343 = arith.constant 0.000000e+00 : f32
    %broadcast_in_dim3A_344 = vector.broadcast %squeeze3A_317 : f32 to vector<16xf32>
    %broadcast_in_dim3A_345 = vector.broadcast %jit3A_343 : f32 to vector<16xf32>
    %select_n3A_346 = arith.select %eq3A_342, %broadcast_in_dim3A_344, %broadcast_in_dim3A_345 : vector<16xi1>, vector<16xf32>
    %add3A_347 = arith.addf %add3A_303, %select_n3A_346 : vector<16xf32>
    %add3A_348 = arith.constant 48 : i32
    %add3A_349 = vector.broadcast %add3A_348 : i32 to vector<16xi32>
    %add3A_350 = arith.addi %iota3A, %add3A_349 : vector<16xi32>
    %eq3A_351 = vector.broadcast %squeeze3A_315 : i32 to vector<16xi32>
    %eq3A_352 = arith.cmpi eq, %add3A_350, %eq3A_351 : vector<16xi32>
    %jit3A_353 = arith.constant 0.000000e+00 : f32
    %broadcast_in_dim3A_354 = vector.broadcast %squeeze3A_317 : f32 to vector<16xf32>
    %broadcast_in_dim3A_355 = vector.broadcast %jit3A_353 : f32 to vector<16xf32>
    %select_n3A_356 = arith.select %eq3A_352, %broadcast_in_dim3A_354, %broadcast_in_dim3A_355 : vector<16xi1>, vector<16xf32>
    %add3A_357 = arith.addf %add3A_313, %select_n3A_356 : vector<16xf32>
    %swap3A = arith.constant 0 : index
    %swap3A_358 = tpu.vector_load %arg7[%swap3A] {strides = array<i32>} : memref<256xf32, #tpu.memory_space<vmem>>, vector<16xf32>,
    %swap3A_359 = vector.shape_cast %swap3A_358 : vector<16xf32> to vector<16xf32>
    %swap3A_360 = vector.shape_cast %add3A_327 : vector<16xf32> to vector<16xf32>
    tpu.vector_store %arg7[%swap3A], %swap3A_360 {strides = array<i32>} : memref<256xf32, #tpu.memory_space<vmem>>, vector<16xf32>,
    %swap3A_361 = arith.constant 16 : index
    %swap3A_362 = tpu.vector_load %arg7[%swap3A_361] {strides = array<i32>} : memref<256xf32, #tpu.memory_space<vmem>>, vector<16xf32>,
    %swap3A_363 = vector.shape_cast %swap3A_362 : vector<16xf32> to vector<16xf32>
    %swap3A_364 = vector.shape_cast %add3A_337 : vector<16xf32> to vector<16xf32>
    tpu.vector_store %arg7[%swap3A_361], %swap3A_364 {strides = array<i32>} : memref<256xf32, #tpu.memory_space<vmem>>, vector<16xf32>,
    %swap3A_365 = arith.constant 32 : index
    %swap3A_366 = tpu.vector_load %arg7[%swap3A_365] {strides = array<i32>} : memref<256xf32, #tpu.memory_space<vmem>>, vector<16xf32>,
    %swap3A_367 = vector.shape_cast %swap3A_366 : vector<16xf32> to vector<16xf32>
    %swap3A_368 = vector.shape_cast %add3A_347 : vector<16xf32> to vector<16xf32>
    tpu.vector_store %arg7[%swap3A_365], %swap3A_368 {strides = array<i32>} : memref<256xf32, #tpu.memory_space<vmem>>, vector<16xf32>,
    %swap3A_369 = arith.constant 48 : index
    %swap3A_370 = tpu.vector_load %arg7[%swap3A_369] {strides = array<i32>} : memref<256xf32, #tpu.memory_space<vmem>>, vector<16xf32>,
    %swap3A_371 = vector.shape_cast %swap3A_370 : vector<16xf32> to vector<16xf32>
    %swap3A_372 = vector.shape_cast %add3A_357 : vector<16xf32> to vector<16xf32>
    tpu.vector_store %arg7[%swap3A_369], %swap3A_372 {strides = array<i32>} : memref<256xf32, #tpu.memory_space<vmem>>, vector<16xf32>,
    %get3A_373 = arith.constant 0 : index
    %get3A_374 = tpu.vector_load %arg5[%get3A_373] {strides = array<i32>} : memref<32xi32, #tpu.memory_space<vmem>>, vector<16xi32>,
    %get3A_375 = vector.shape_cast %get3A_374 : vector<16xi32> to vector<16xi32>
    %get3A_376 = arith.constant 0 : index
    %get3A_377 = tpu.vector_load %arg6[%get3A_376] {strides = array<i32>} : memref<32xf32, #tpu.memory_space<vmem>>, vector<16xf32>,
    %get3A_378 = vector.shape_cast %get3A_377 : vector<16xf32> to vector<16xf32>
    %slice3A_379 = vector.extract_strided_slice %get3A_375 {offsets = [8], sizes = [1], strides = [1]} : vector<16xi32> to vector<1xi32>
    %squeeze3A_380 = vector.extract %slice3A_379[0] : i32 from vector<1xi32>
    %slice3A_381 = vector.extract_strided_slice %get3A_378 {offsets = [8], sizes = [1], strides = [1]} : vector<16xf32> to vector<1xf32>
    %squeeze3A_382 = vector.extract %slice3A_381[0] : f32 from vector<1xf32>
    %add3A_383 = arith.constant 0 : i32
    %add3A_384 = vector.broadcast %add3A_383 : i32 to vector<16xi32>
    %add3A_385 = arith.addi %iota3A, %add3A_384 : vector<16xi32>
    %eq3A_386 = vector.broadcast %squeeze3A_380 : i32 to vector<16xi32>
    %eq3A_387 = arith.cmpi eq, %add3A_385, %eq3A_386 : vector<16xi32>
    %jit3A_388 = arith.constant 0.000000e+00 : f32
    %broadcast_in_dim3A_389 = vector.broadcast %squeeze3A_382 : f32 to vector<16xf32>
    %broadcast_in_dim3A_390 = vector.broadcast %jit3A_388 : f32 to vector<16xf32>
    %select_n3A_391 = arith.select %eq3A_387, %broadcast_in_dim3A_389, %broadcast_in_dim3A_390 : vector<16xi1>, vector<16xf32>
    %add3A_392 = arith.addf %broadcast_in_dim3A_5, %select_n3A_391 : vector<16xf32>
    %add3A_393 = arith.constant 16 : i32
    %add3A_394 = vector.broadcast %add3A_393 : i32 to vector<16xi32>
    %add3A_395 = arith.addi %iota3A, %add3A_394 : vector<16xi32>
    %eq3A_396 = vector.broadcast %squeeze3A_380 : i32 to vector<16xi32>
    %eq3A_397 = arith.cmpi eq, %add3A_395, %eq3A_396 : vector<16xi32>
    %jit3A_398 = arith.constant 0.000000e+00 : f32
    %broadcast_in_dim3A_399 = vector.broadcast %squeeze3A_382 : f32 to vector<16xf32>
    %broadcast_in_dim3A_400 = vector.broadcast %jit3A_398 : f32 to vector<16xf32>
    %select_n3A_401 = arith.select %eq3A_397, %broadcast_in_dim3A_399, %broadcast_in_dim3A_400 : vector<16xi1>, vector<16xf32>
    %add3A_402 = arith.addf %broadcast_in_dim3A_5, %select_n3A_401 : vector<16xf32>
    %add3A_403 = arith.constant 32 : i32
    %add3A_404 = vector.broadcast %add3A_403 : i32 to vector<16xi32>
    %add3A_405 = arith.addi %iota3A, %add3A_404 : vector<16xi32>
    %eq3A_406 = vector.broadcast %squeeze3A_380 : i32 to vector<16xi32>
    %eq3A_407 = arith.cmpi eq, %add3A_405, %eq3A_406 : vector<16xi32>
    %jit3A_408 = arith.constant 0.000000e+00 : f32
    %broadcast_in_dim3A_409 = vector.broadcast %squeeze3A_382 : f32 to vector<16xf32>
    %broadcast_in_dim3A_410 = vector.broadcast %jit3A_408 : f32 to vector<16xf32>
    %select_n3A_411 = arith.select %eq3A_407, %broadcast_in_dim3A_409, %broadcast_in_dim3A_410 : vector<16xi1>, vector<16xf32>
    %add3A_412 = arith.addf %broadcast_in_dim3A_5, %select_n3A_411 : vector<16xf32>
    %add3A_413 = arith.constant 48 : i32
    %add3A_414 = vector.broadcast %add3A_413 : i32 to vector<16xi32>
    %add3A_415 = arith.addi %iota3A, %add3A_414 : vector<16xi32>
    %eq3A_416 = vector.broadcast %squeeze3A_380 : i32 to vector<16xi32>
    %eq3A_417 = arith.cmpi eq, %add3A_415, %eq3A_416 : vector<16xi32>
    %jit3A_418 = arith.constant 0.000000e+00 : f32
    %broadcast_in_dim3A_419 = vector.broadcast %squeeze3A_382 : f32 to vector<16xf32>
    %broadcast_in_dim3A_420 = vector.broadcast %jit3A_418 : f32 to vector<16xf32>
    %select_n3A_421 = arith.select %eq3A_417, %broadcast_in_dim3A_419, %broadcast_in_dim3A_420 : vector<16xi1>, vector<16xf32>
    %add3A_422 = arith.addf %broadcast_in_dim3A_5, %select_n3A_421 : vector<16xf32>
    %slice3A_423 = vector.extract_strided_slice %get3A_375 {offsets = [9], sizes = [1], strides = [1]} : vector<16xi32> to vector<1xi32>
    %squeeze3A_424 = vector.extract %slice3A_423[0] : i32 from vector<1xi32>
    %slice3A_425 = vector.extract_strided_slice %get3A_378 {offsets = [9], sizes = [1], strides = [1]} : vector<16xf32> to vector<1xf32>
    %squeeze3A_426 = vector.extract %slice3A_425[0] : f32 from vector<1xf32>
    %add3A_427 = arith.constant 0 : i32
    %add3A_428 = vector.broadcast %add3A_427 : i32 to vector<16xi32>
    %add3A_429 = arith.addi %iota3A, %add3A_428 : vector<16xi32>
    %eq3A_430 = vector.broadcast %squeeze3A_424 : i32 to vector<16xi32>
    %eq3A_431 = arith.cmpi eq, %add3A_429, %eq3A_430 : vector<16xi32>
    %jit3A_432 = arith.constant 0.000000e+00 : f32
    %broadcast_in_dim3A_433 = vector.broadcast %squeeze3A_426 : f32 to vector<16xf32>
    %broadcast_in_dim3A_434 = vector.broadcast %jit3A_432 : f32 to vector<16xf32>
    %select_n3A_435 = arith.select %eq3A_431, %broadcast_in_dim3A_433, %broadcast_in_dim3A_434 : vector<16xi1>, vector<16xf32>
    %add3A_436 = arith.addf %add3A_392, %select_n3A_435 : vector<16xf32>
    %add3A_437 = arith.constant 16 : i32
    %add3A_438 = vector.broadcast %add3A_437 : i32 to vector<16xi32>
    %add3A_439 = arith.addi %iota3A, %add3A_438 : vector<16xi32>
    %eq3A_440 = vector.broadcast %squeeze3A_424 : i32 to vector<16xi32>
    %eq3A_441 = arith.cmpi eq, %add3A_439, %eq3A_440 : vector<16xi32>
    %jit3A_442 = arith.constant 0.000000e+00 : f32
    %broadcast_in_dim3A_443 = vector.broadcast %squeeze3A_426 : f32 to vector<16xf32>
    %broadcast_in_dim3A_444 = vector.broadcast %jit3A_442 : f32 to vector<16xf32>
    %select_n3A_445 = arith.select %eq3A_441, %broadcast_in_dim3A_443, %broadcast_in_dim3A_444 : vector<16xi1>, vector<16xf32>
    %add3A_446 = arith.addf %add3A_402, %select_n3A_445 : vector<16xf32>
    %add3A_447 = arith.constant 32 : i32
    %add3A_448 = vector.broadcast %add3A_447 : i32 to vector<16xi32>
    %add3A_449 = arith.addi %iota3A, %add3A_448 : vector<16xi32>
    %eq3A_450 = vector.broadcast %squeeze3A_424 : i32 to vector<16xi32>
    %eq3A_451 = arith.cmpi eq, %add3A_449, %eq3A_450 : vector<16xi32>
    %jit3A_452 = arith.constant 0.000000e+00 : f32
    %broadcast_in_dim3A_453 = vector.broadcast %squeeze3A_426 : f32 to vector<16xf32>
    %broadcast_in_dim3A_454 = vector.broadcast %jit3A_452 : f32 to vector<16xf32>
    %select_n3A_455 = arith.select %eq3A_451, %broadcast_in_dim3A_453, %broadcast_in_dim3A_454 : vector<16xi1>, vector<16xf32>
    %add3A_456 = arith.addf %add3A_412, %select_n3A_455 : vector<16xf32>
    %add3A_457 = arith.constant 48 : i32
    %add3A_458 = vector.broadcast %add3A_457 : i32 to vector<16xi32>
    %add3A_459 = arith.addi %iota3A, %add3A_458 : vector<16xi32>
    %eq3A_460 = vector.broadcast %squeeze3A_424 : i32 to vector<16xi32>
    %eq3A_461 = arith.cmpi eq, %add3A_459, %eq3A_460 : vector<16xi32>
    %jit3A_462 = arith.constant 0.000000e+00 : f32
    %broadcast_in_dim3A_463 = vector.broadcast %squeeze3A_426 : f32 to vector<16xf32>
    %broadcast_in_dim3A_464 = vector.broadcast %jit3A_462 : f32 to vector<16xf32>
    %select_n3A_465 = arith.select %eq3A_461, %broadcast_in_dim3A_463, %broadcast_in_dim3A_464 : vector<16xi1>, vector<16xf32>
    %add3A_466 = arith.addf %add3A_422, %select_n3A_465 : vector<16xf32>
    %slice3A_467 = vector.extract_strided_slice %get3A_375 {offsets = [10], sizes = [1], strides = [1]} : vector<16xi32> to vector<1xi32>
    %squeeze3A_468 = vector.extract %slice3A_467[0] : i32 from vector<1xi32>
    %slice3A_469 = vector.extract_strided_slice %get3A_378 {offsets = [10], sizes = [1], strides = [1]} : vector<16xf32> to vector<1xf32>
    %squeeze3A_470 = vector.extract %slice3A_469[0] : f32 from vector<1xf32>
    %add3A_471 = arith.constant 0 : i32
    %add3A_472 = vector.broadcast %add3A_471 : i32 to vector<16xi32>
    %add3A_473 = arith.addi %iota3A, %add3A_472 : vector<16xi32>
    %eq3A_474 = vector.broadcast %squeeze3A_468 : i32 to vector<16xi32>
    %eq3A_475 = arith.cmpi eq, %add3A_473, %eq3A_474 : vector<16xi32>
    %jit3A_476 = arith.constant 0.000000e+00 : f32
    %broadcast_in_dim3A_477 = vector.broadcast %squeeze3A_470 : f32 to vector<16xf32>
    %broadcast_in_dim3A_478 = vector.broadcast %jit3A_476 : f32 to vector<16xf32>
    %select_n3A_479 = arith.select %eq3A_475, %broadcast_in_dim3A_477, %broadcast_in_dim3A_478 : vector<16xi1>, vector<16xf32>
    %add3A_480 = arith.addf %add3A_436, %select_n3A_479 : vector<16xf32>
    %add3A_481 = arith.constant 16 : i32
    %add3A_482 = vector.broadcast %add3A_481 : i32 to vector<16xi32>
    %add3A_483 = arith.addi %iota3A, %add3A_482 : vector<16xi32>
    %eq3A_484 = vector.broadcast %squeeze3A_468 : i32 to vector<16xi32>
    %eq3A_485 = arith.cmpi eq, %add3A_483, %eq3A_484 : vector<16xi32>
    %jit3A_486 = arith.constant 0.000000e+00 : f32
    %broadcast_in_dim3A_487 = vector.broadcast %squeeze3A_470 : f32 to vector<16xf32>
    %broadcast_in_dim3A_488 = vector.broadcast %jit3A_486 : f32 to vector<16xf32>
    %select_n3A_489 = arith.select %eq3A_485, %broadcast_in_dim3A_487, %broadcast_in_dim3A_488 : vector<16xi1>, vector<16xf32>
    %add3A_490 = arith.addf %add3A_446, %select_n3A_489 : vector<16xf32>
    %add3A_491 = arith.constant 32 : i32
    %add3A_492 = vector.broadcast %add3A_491 : i32 to vector<16xi32>
    %add3A_493 = arith.addi %iota3A, %add3A_492 : vector<16xi32>
    %eq3A_494 = vector.broadcast %squeeze3A_468 : i32 to vector<16xi32>
    %eq3A_495 = arith.cmpi eq, %add3A_493, %eq3A_494 : vector<16xi32>
    %jit3A_496 = arith.constant 0.000000e+00 : f32
    %broadcast_in_dim3A_497 = vector.broadcast %squeeze3A_470 : f32 to vector<16xf32>
    %broadcast_in_dim3A_498 = vector.broadcast %jit3A_496 : f32 to vector<16xf32>
    %select_n3A_499 = arith.select %eq3A_495, %broadcast_in_dim3A_497, %broadcast_in_dim3A_498 : vector<16xi1>, vector<16xf32>
    %add3A_500 = arith.addf %add3A_456, %select_n3A_499 : vector<16xf32>
    %add3A_501 = arith.constant 48 : i32
    %add3A_502 = vector.broadcast %add3A_501 : i32 to vector<16xi32>
    %add3A_503 = arith.addi %iota3A, %add3A_502 : vector<16xi32>
    %eq3A_504 = vector.broadcast %squeeze3A_468 : i32 to vector<16xi32>
    %eq3A_505 = arith.cmpi eq, %add3A_503, %eq3A_504 : vector<16xi32>
    %jit3A_506 = arith.constant 0.000000e+00 : f32
    %broadcast_in_dim3A_507 = vector.broadcast %squeeze3A_470 : f32 to vector<16xf32>
    %broadcast_in_dim3A_508 = vector.broadcast %jit3A_506 : f32 to vector<16xf32>
    %select_n3A_509 = arith.select %eq3A_505, %broadcast_in_dim3A_507, %broadcast_in_dim3A_508 : vector<16xi1>, vector<16xf32>
    %add3A_510 = arith.addf %add3A_466, %select_n3A_509 : vector<16xf32>
    %slice3A_511 = vector.extract_strided_slice %get3A_375 {offsets = [11], sizes = [1], strides = [1]} : vector<16xi32> to vector<1xi32>
    %squeeze3A_512 = vector.extract %slice3A_511[0] : i32 from vector<1xi32>
    %slice3A_513 = vector.extract_strided_slice %get3A_378 {offsets = [11], sizes = [1], strides = [1]} : vector<16xf32> to vector<1xf32>
    %squeeze3A_514 = vector.extract %slice3A_513[0] : f32 from vector<1xf32>
    %add3A_515 = arith.constant 0 : i32
    %add3A_516 = vector.broadcast %add3A_515 : i32 to vector<16xi32>
    %add3A_517 = arith.addi %iota3A, %add3A_516 : vector<16xi32>
    %eq3A_518 = vector.broadcast %squeeze3A_512 : i32 to vector<16xi32>
    %eq3A_519 = arith.cmpi eq, %add3A_517, %eq3A_518 : vector<16xi32>
    %jit3A_520 = arith.constant 0.000000e+00 : f32
    %broadcast_in_dim3A_521 = vector.broadcast %squeeze3A_514 : f32 to vector<16xf32>
    %broadcast_in_dim3A_522 = vector.broadcast %jit3A_520 : f32 to vector<16xf32>
    %select_n3A_523 = arith.select %eq3A_519, %broadcast_in_dim3A_521, %broadcast_in_dim3A_522 : vector<16xi1>, vector<16xf32>
    %add3A_524 = arith.addf %add3A_480, %select_n3A_523 : vector<16xf32>
    %add3A_525 = arith.constant 16 : i32
    %add3A_526 = vector.broadcast %add3A_525 : i32 to vector<16xi32>
    %add3A_527 = arith.addi %iota3A, %add3A_526 : vector<16xi32>
    %eq3A_528 = vector.broadcast %squeeze3A_512 : i32 to vector<16xi32>
    %eq3A_529 = arith.cmpi eq, %add3A_527, %eq3A_528 : vector<16xi32>
    %jit3A_530 = arith.constant 0.000000e+00 : f32
    %broadcast_in_dim3A_531 = vector.broadcast %squeeze3A_514 : f32 to vector<16xf32>
    %broadcast_in_dim3A_532 = vector.broadcast %jit3A_530 : f32 to vector<16xf32>
    %select_n3A_533 = arith.select %eq3A_529, %broadcast_in_dim3A_531, %broadcast_in_dim3A_532 : vector<16xi1>, vector<16xf32>
    %add3A_534 = arith.addf %add3A_490, %select_n3A_533 : vector<16xf32>
    %add3A_535 = arith.constant 32 : i32
    %add3A_536 = vector.broadcast %add3A_535 : i32 to vector<16xi32>
    %add3A_537 = arith.addi %iota3A, %add3A_536 : vector<16xi32>
    %eq3A_538 = vector.broadcast %squeeze3A_512 : i32 to vector<16xi32>
    %eq3A_539 = arith.cmpi eq, %add3A_537, %eq3A_538 : vector<16xi32>
    %jit3A_540 = arith.constant 0.000000e+00 : f32
    %broadcast_in_dim3A_541 = vector.broadcast %squeeze3A_514 : f32 to vector<16xf32>
    %broadcast_in_dim3A_542 = vector.broadcast %jit3A_540 : f32 to vector<16xf32>
    %select_n3A_543 = arith.select %eq3A_539, %broadcast_in_dim3A_541, %broadcast_in_dim3A_542 : vector<16xi1>, vector<16xf32>
    %add3A_544 = arith.addf %add3A_500, %select_n3A_543 : vector<16xf32>
    %add3A_545 = arith.constant 48 : i32
    %add3A_546 = vector.broadcast %add3A_545 : i32 to vector<16xi32>
    %add3A_547 = arith.addi %iota3A, %add3A_546 : vector<16xi32>
    %eq3A_548 = vector.broadcast %squeeze3A_512 : i32 to vector<16xi32>
    %eq3A_549 = arith.cmpi eq, %add3A_547, %eq3A_548 : vector<16xi32>
    %jit3A_550 = arith.constant 0.000000e+00 : f32
    %broadcast_in_dim3A_551 = vector.broadcast %squeeze3A_514 : f32 to vector<16xf32>
    %broadcast_in_dim3A_552 = vector.broadcast %jit3A_550 : f32 to vector<16xf32>
    %select_n3A_553 = arith.select %eq3A_549, %broadcast_in_dim3A_551, %broadcast_in_dim3A_552 : vector<16xi1>, vector<16xf32>
    %add3A_554 = arith.addf %add3A_510, %select_n3A_553 : vector<16xf32>
    %slice3A_555 = vector.extract_strided_slice %get3A_375 {offsets = [12], sizes = [1], strides = [1]} : vector<16xi32> to vector<1xi32>
    %squeeze3A_556 = vector.extract %slice3A_555[0] : i32 from vector<1xi32>
    %slice3A_557 = vector.extract_strided_slice %get3A_378 {offsets = [12], sizes = [1], strides = [1]} : vector<16xf32> to vector<1xf32>
    %squeeze3A_558 = vector.extract %slice3A_557[0] : f32 from vector<1xf32>
    %add3A_559 = arith.constant 0 : i32
    %add3A_560 = vector.broadcast %add3A_559 : i32 to vector<16xi32>
    %add3A_561 = arith.addi %iota3A, %add3A_560 : vector<16xi32>
    %eq3A_562 = vector.broadcast %squeeze3A_556 : i32 to vector<16xi32>
    %eq3A_563 = arith.cmpi eq, %add3A_561, %eq3A_562 : vector<16xi32>
    %jit3A_564 = arith.constant 0.000000e+00 : f32
    %broadcast_in_dim3A_565 = vector.broadcast %squeeze3A_558 : f32 to vector<16xf32>
    %broadcast_in_dim3A_566 = vector.broadcast %jit3A_564 : f32 to vector<16xf32>
    %select_n3A_567 = arith.select %eq3A_563, %broadcast_in_dim3A_565, %broadcast_in_dim3A_566 : vector<16xi1>, vector<16xf32>
    %add3A_568 = arith.addf %add3A_524, %select_n3A_567 : vector<16xf32>
    %add3A_569 = arith.constant 16 : i32
    %add3A_570 = vector.broadcast %add3A_569 : i32 to vector<16xi32>
    %add3A_571 = arith.addi %iota3A, %add3A_570 : vector<16xi32>
    %eq3A_572 = vector.broadcast %squeeze3A_556 : i32 to vector<16xi32>
    %eq3A_573 = arith.cmpi eq, %add3A_571, %eq3A_572 : vector<16xi32>
    %jit3A_574 = arith.constant 0.000000e+00 : f32
    %broadcast_in_dim3A_575 = vector.broadcast %squeeze3A_558 : f32 to vector<16xf32>
    %broadcast_in_dim3A_576 = vector.broadcast %jit3A_574 : f32 to vector<16xf32>
    %select_n3A_577 = arith.select %eq3A_573, %broadcast_in_dim3A_575, %broadcast_in_dim3A_576 : vector<16xi1>, vector<16xf32>
    %add3A_578 = arith.addf %add3A_534, %select_n3A_577 : vector<16xf32>
    %add3A_579 = arith.constant 32 : i32
    %add3A_580 = vector.broadcast %add3A_579 : i32 to vector<16xi32>
    %add3A_581 = arith.addi %iota3A, %add3A_580 : vector<16xi32>
    %eq3A_582 = vector.broadcast %squeeze3A_556 : i32 to vector<16xi32>
    %eq3A_583 = arith.cmpi eq, %add3A_581, %eq3A_582 : vector<16xi32>
    %jit3A_584 = arith.constant 0.000000e+00 : f32
    %broadcast_in_dim3A_585 = vector.broadcast %squeeze3A_558 : f32 to vector<16xf32>
    %broadcast_in_dim3A_586 = vector.broadcast %jit3A_584 : f32 to vector<16xf32>
    %select_n3A_587 = arith.select %eq3A_583, %broadcast_in_dim3A_585, %broadcast_in_dim3A_586 : vector<16xi1>, vector<16xf32>
    %add3A_588 = arith.addf %add3A_544, %select_n3A_587 : vector<16xf32>
    %add3A_589 = arith.constant 48 : i32
    %add3A_590 = vector.broadcast %add3A_589 : i32 to vector<16xi32>
    %add3A_591 = arith.addi %iota3A, %add3A_590 : vector<16xi32>
    %eq3A_592 = vector.broadcast %squeeze3A_556 : i32 to vector<16xi32>
    %eq3A_593 = arith.cmpi eq, %add3A_591, %eq3A_592 : vector<16xi32>
    %jit3A_594 = arith.constant 0.000000e+00 : f32
    %broadcast_in_dim3A_595 = vector.broadcast %squeeze3A_558 : f32 to vector<16xf32>
    %broadcast_in_dim3A_596 = vector.broadcast %jit3A_594 : f32 to vector<16xf32>
    %select_n3A_597 = arith.select %eq3A_593, %broadcast_in_dim3A_595, %broadcast_in_dim3A_596 : vector<16xi1>, vector<16xf32>
    %add3A_598 = arith.addf %add3A_554, %select_n3A_597 : vector<16xf32>
    %slice3A_599 = vector.extract_strided_slice %get3A_375 {offsets = [13], sizes = [1], strides = [1]} : vector<16xi32> to vector<1xi32>
    %squeeze3A_600 = vector.extract %slice3A_599[0] : i32 from vector<1xi32>
    %slice3A_601 = vector.extract_strided_slice %get3A_378 {offsets = [13], sizes = [1], strides = [1]} : vector<16xf32> to vector<1xf32>
    %squeeze3A_602 = vector.extract %slice3A_601[0] : f32 from vector<1xf32>
    %add3A_603 = arith.constant 0 : i32
    %add3A_604 = vector.broadcast %add3A_603 : i32 to vector<16xi32>
    %add3A_605 = arith.addi %iota3A, %add3A_604 : vector<16xi32>
    %eq3A_606 = vector.broadcast %squeeze3A_600 : i32 to vector<16xi32>
    %eq3A_607 = arith.cmpi eq, %add3A_605, %eq3A_606 : vector<16xi32>
    %jit3A_608 = arith.constant 0.000000e+00 : f32
    %broadcast_in_dim3A_609 = vector.broadcast %squeeze3A_602 : f32 to vector<16xf32>
    %broadcast_in_dim3A_610 = vector.broadcast %jit3A_608 : f32 to vector<16xf32>
    %select_n3A_611 = arith.select %eq3A_607, %broadcast_in_dim3A_609, %broadcast_in_dim3A_610 : vector<16xi1>, vector<16xf32>
    %add3A_612 = arith.addf %add3A_568, %select_n3A_611 : vector<16xf32>
    %add3A_613 = arith.constant 16 : i32
    %add3A_614 = vector.broadcast %add3A_613 : i32 to vector<16xi32>
    %add3A_615 = arith.addi %iota3A, %add3A_614 : vector<16xi32>
    %eq3A_616 = vector.broadcast %squeeze3A_600 : i32 to vector<16xi32>
    %eq3A_617 = arith.cmpi eq, %add3A_615, %eq3A_616 : vector<16xi32>
    %jit3A_618 = arith.constant 0.000000e+00 : f32
    %broadcast_in_dim3A_619 = vector.broadcast %squeeze3A_602 : f32 to vector<16xf32>
    %broadcast_in_dim3A_620 = vector.broadcast %jit3A_618 : f32 to vector<16xf32>
    %select_n3A_621 = arith.select %eq3A_617, %broadcast_in_dim3A_619, %broadcast_in_dim3A_620 : vector<16xi1>, vector<16xf32>
    %add3A_622 = arith.addf %add3A_578, %select_n3A_621 : vector<16xf32>
    %add3A_623 = arith.constant 32 : i32
    %add3A_624 = vector.broadcast %add3A_623 : i32 to vector<16xi32>
    %add3A_625 = arith.addi %iota3A, %add3A_624 : vector<16xi32>
    %eq3A_626 = vector.broadcast %squeeze3A_600 : i32 to vector<16xi32>
    %eq3A_627 = arith.cmpi eq, %add3A_625, %eq3A_626 : vector<16xi32>
    %jit3A_628 = arith.constant 0.000000e+00 : f32
    %broadcast_in_dim3A_629 = vector.broadcast %squeeze3A_602 : f32 to vector<16xf32>
    %broadcast_in_dim3A_630 = vector.broadcast %jit3A_628 : f32 to vector<16xf32>
    %select_n3A_631 = arith.select %eq3A_627, %broadcast_in_dim3A_629, %broadcast_in_dim3A_630 : vector<16xi1>, vector<16xf32>
    %add3A_632 = arith.addf %add3A_588, %select_n3A_631 : vector<16xf32>
    %add3A_633 = arith.constant 48 : i32
    %add3A_634 = vector.broadcast %add3A_633 : i32 to vector<16xi32>
    %add3A_635 = arith.addi %iota3A, %add3A_634 : vector<16xi32>
    %eq3A_636 = vector.broadcast %squeeze3A_600 : i32 to vector<16xi32>
    %eq3A_637 = arith.cmpi eq, %add3A_635, %eq3A_636 : vector<16xi32>
    %jit3A_638 = arith.constant 0.000000e+00 : f32
    %broadcast_in_dim3A_639 = vector.broadcast %squeeze3A_602 : f32 to vector<16xf32>
    %broadcast_in_dim3A_640 = vector.broadcast %jit3A_638 : f32 to vector<16xf32>
    %select_n3A_641 = arith.select %eq3A_637, %broadcast_in_dim3A_639, %broadcast_in_dim3A_640 : vector<16xi1>, vector<16xf32>
    %add3A_642 = arith.addf %add3A_598, %select_n3A_641 : vector<16xf32>
    %slice3A_643 = vector.extract_strided_slice %get3A_375 {offsets = [14], sizes = [1], strides = [1]} : vector<16xi32> to vector<1xi32>
    %squeeze3A_644 = vector.extract %slice3A_643[0] : i32 from vector<1xi32>
    %slice3A_645 = vector.extract_strided_slice %get3A_378 {offsets = [14], sizes = [1], strides = [1]} : vector<16xf32> to vector<1xf32>
    %squeeze3A_646 = vector.extract %slice3A_645[0] : f32 from vector<1xf32>
    %add3A_647 = arith.constant 0 : i32
    %add3A_648 = vector.broadcast %add3A_647 : i32 to vector<16xi32>
    %add3A_649 = arith.addi %iota3A, %add3A_648 : vector<16xi32>
    %eq3A_650 = vector.broadcast %squeeze3A_644 : i32 to vector<16xi32>
    %eq3A_651 = arith.cmpi eq, %add3A_649, %eq3A_650 : vector<16xi32>
    %jit3A_652 = arith.constant 0.000000e+00 : f32
    %broadcast_in_dim3A_653 = vector.broadcast %squeeze3A_646 : f32 to vector<16xf32>
    %broadcast_in_dim3A_654 = vector.broadcast %jit3A_652 : f32 to vector<16xf32>
    %select_n3A_655 = arith.select %eq3A_651, %broadcast_in_dim3A_653, %broadcast_in_dim3A_654 : vector<16xi1>, vector<16xf32>
    %add3A_656 = arith.addf %add3A_612, %select_n3A_655 : vector<16xf32>
    %add3A_657 = arith.constant 16 : i32
    %add3A_658 = vector.broadcast %add3A_657 : i32 to vector<16xi32>
    %add3A_659 = arith.addi %iota3A, %add3A_658 : vector<16xi32>
    %eq3A_660 = vector.broadcast %squeeze3A_644 : i32 to vector<16xi32>
    %eq3A_661 = arith.cmpi eq, %add3A_659, %eq3A_660 : vector<16xi32>
    %jit3A_662 = arith.constant 0.000000e+00 : f32
    %broadcast_in_dim3A_663 = vector.broadcast %squeeze3A_646 : f32 to vector<16xf32>
    %broadcast_in_dim3A_664 = vector.broadcast %jit3A_662 : f32 to vector<16xf32>
    %select_n3A_665 = arith.select %eq3A_661, %broadcast_in_dim3A_663, %broadcast_in_dim3A_664 : vector<16xi1>, vector<16xf32>
    %add3A_666 = arith.addf %add3A_622, %select_n3A_665 : vector<16xf32>
    %add3A_667 = arith.constant 32 : i32
    %add3A_668 = vector.broadcast %add3A_667 : i32 to vector<16xi32>
    %add3A_669 = arith.addi %iota3A, %add3A_668 : vector<16xi32>
    %eq3A_670 = vector.broadcast %squeeze3A_644 : i32 to vector<16xi32>
    %eq3A_671 = arith.cmpi eq, %add3A_669, %eq3A_670 : vector<16xi32>
    %jit3A_672 = arith.constant 0.000000e+00 : f32
    %broadcast_in_dim3A_673 = vector.broadcast %squeeze3A_646 : f32 to vector<16xf32>
    %broadcast_in_dim3A_674 = vector.broadcast %jit3A_672 : f32 to vector<16xf32>
    %select_n3A_675 = arith.select %eq3A_671, %broadcast_in_dim3A_673, %broadcast_in_dim3A_674 : vector<16xi1>, vector<16xf32>
    %add3A_676 = arith.addf %add3A_632, %select_n3A_675 : vector<16xf32>
    %add3A_677 = arith.constant 48 : i32
    %add3A_678 = vector.broadcast %add3A_677 : i32 to vector<16xi32>
    %add3A_679 = arith.addi %iota3A, %add3A_678 : vector<16xi32>
    %eq3A_680 = vector.broadcast %squeeze3A_644 : i32 to vector<16xi32>
    %eq3A_681 = arith.cmpi eq, %add3A_679, %eq3A_680 : vector<16xi32>
    %jit3A_682 = arith.constant 0.000000e+00 : f32
    %broadcast_in_dim3A_683 = vector.broadcast %squeeze3A_646 : f32 to vector<16xf32>
    %broadcast_in_dim3A_684 = vector.broadcast %jit3A_682 : f32 to vector<16xf32>
    %select_n3A_685 = arith.select %eq3A_681, %broadcast_in_dim3A_683, %broadcast_in_dim3A_684 : vector<16xi1>, vector<16xf32>
    %add3A_686 = arith.addf %add3A_642, %select_n3A_685 : vector<16xf32>
    %slice3A_687 = vector.extract_strided_slice %get3A_375 {offsets = [15], sizes = [1], strides = [1]} : vector<16xi32> to vector<1xi32>
    %squeeze3A_688 = vector.extract %slice3A_687[0] : i32 from vector<1xi32>
    %slice3A_689 = vector.extract_strided_slice %get3A_378 {offsets = [15], sizes = [1], strides = [1]} : vector<16xf32> to vector<1xf32>
    %squeeze3A_690 = vector.extract %slice3A_689[0] : f32 from vector<1xf32>
    %add3A_691 = arith.constant 0 : i32
    %add3A_692 = vector.broadcast %add3A_691 : i32 to vector<16xi32>
    %add3A_693 = arith.addi %iota3A, %add3A_692 : vector<16xi32>
    %eq3A_694 = vector.broadcast %squeeze3A_688 : i32 to vector<16xi32>
    %eq3A_695 = arith.cmpi eq, %add3A_693, %eq3A_694 : vector<16xi32>
    %jit3A_696 = arith.constant 0.000000e+00 : f32
    %broadcast_in_dim3A_697 = vector.broadcast %squeeze3A_690 : f32 to vector<16xf32>
    %broadcast_in_dim3A_698 = vector.broadcast %jit3A_696 : f32 to vector<16xf32>
    %select_n3A_699 = arith.select %eq3A_695, %broadcast_in_dim3A_697, %broadcast_in_dim3A_698 : vector<16xi1>, vector<16xf32>
    %add3A_700 = arith.addf %add3A_656, %select_n3A_699 : vector<16xf32>
    %add3A_701 = arith.constant 16 : i32
    %add3A_702 = vector.broadcast %add3A_701 : i32 to vector<16xi32>
    %add3A_703 = arith.addi %iota3A, %add3A_702 : vector<16xi32>
    %eq3A_704 = vector.broadcast %squeeze3A_688 : i32 to vector<16xi32>
    %eq3A_705 = arith.cmpi eq, %add3A_703, %eq3A_704 : vector<16xi32>
    %jit3A_706 = arith.constant 0.000000e+00 : f32
    %broadcast_in_dim3A_707 = vector.broadcast %squeeze3A_690 : f32 to vector<16xf32>
    %broadcast_in_dim3A_708 = vector.broadcast %jit3A_706 : f32 to vector<16xf32>
    %select_n3A_709 = arith.select %eq3A_705, %broadcast_in_dim3A_707, %broadcast_in_dim3A_708 : vector<16xi1>, vector<16xf32>
    %add3A_710 = arith.addf %add3A_666, %select_n3A_709 : vector<16xf32>
    %add3A_711 = arith.constant 32 : i32
    %add3A_712 = vector.broadcast %add3A_711 : i32 to vector<16xi32>
    %add3A_713 = arith.addi %iota3A, %add3A_712 : vector<16xi32>
    %eq3A_714 = vector.broadcast %squeeze3A_688 : i32 to vector<16xi32>
    %eq3A_715 = arith.cmpi eq, %add3A_713, %eq3A_714 : vector<16xi32>
    %jit3A_716 = arith.constant 0.000000e+00 : f32
    %broadcast_in_dim3A_717 = vector.broadcast %squeeze3A_690 : f32 to vector<16xf32>
    %broadcast_in_dim3A_718 = vector.broadcast %jit3A_716 : f32 to vector<16xf32>
    %select_n3A_719 = arith.select %eq3A_715, %broadcast_in_dim3A_717, %broadcast_in_dim3A_718 : vector<16xi1>, vector<16xf32>
    %add3A_720 = arith.addf %add3A_676, %select_n3A_719 : vector<16xf32>
    %add3A_721 = arith.constant 48 : i32
    %add3A_722 = vector.broadcast %add3A_721 : i32 to vector<16xi32>
    %add3A_723 = arith.addi %iota3A, %add3A_722 : vector<16xi32>
    %eq3A_724 = vector.broadcast %squeeze3A_688 : i32 to vector<16xi32>
    %eq3A_725 = arith.cmpi eq, %add3A_723, %eq3A_724 : vector<16xi32>
    %jit3A_726 = arith.constant 0.000000e+00 : f32
    %broadcast_in_dim3A_727 = vector.broadcast %squeeze3A_690 : f32 to vector<16xf32>
    %broadcast_in_dim3A_728 = vector.broadcast %jit3A_726 : f32 to vector<16xf32>
    %select_n3A_729 = arith.select %eq3A_725, %broadcast_in_dim3A_727, %broadcast_in_dim3A_728 : vector<16xi1>, vector<16xf32>
    %add3A_730 = arith.addf %add3A_686, %select_n3A_729 : vector<16xf32>
    %swap3A_731 = arith.constant 64 : index
    %swap3A_732 = tpu.vector_load %arg7[%swap3A_731] {strides = array<i32>} : memref<256xf32, #tpu.memory_space<vmem>>, vector<16xf32>,
    %swap3A_733 = vector.shape_cast %swap3A_732 : vector<16xf32> to vector<16xf32>
    %swap3A_734 = vector.shape_cast %add3A_700 : vector<16xf32> to vector<16xf32>
    tpu.vector_store %arg7[%swap3A_731], %swap3A_734 {strides = array<i32>} : memref<256xf32, #tpu.memory_space<vmem>>, vector<16xf32>,
    %swap3A_735 = arith.constant 80 : index
    %swap3A_736 = tpu.vector_load %arg7[%swap3A_735] {strides = array<i32>} : memref<256xf32, #tpu.memory_space<vmem>>, vector<16xf32>,
    %swap3A_737 = vector.shape_cast %swap3A_736 : vector<16xf32> to vector<16xf32>
    %swap3A_738 = vector.shape_cast %add3A_710 : vector<16xf32> to vector<16xf32>
    tpu.vector_store %arg7[%swap3A_735], %swap3A_738 {strides = array<i32>} : memref<256xf32, #tpu.memory_space<vmem>>, vector<16xf32>,
    %swap3A_739 = arith.constant 96 : index
    %swap3A_740 = tpu.vector_load %arg7[%swap3A_739] {strides = array<i32>} : memref<256xf32, #tpu.memory_space<vmem>>, vector<16xf32>,
    %swap3A_741 = vector.shape_cast %swap3A_740 : vector<16xf32> to vector<16xf32>
    %swap3A_742 = vector.shape_cast %add3A_720 : vector<16xf32> to vector<16xf32>
    tpu.vector_store %arg7[%swap3A_739], %swap3A_742 {strides = array<i32>} : memref<256xf32, #tpu.memory_space<vmem>>, vector<16xf32>,
    %swap3A_743 = arith.constant 112 : index
    %swap3A_744 = tpu.vector_load %arg7[%swap3A_743] {strides = array<i32>} : memref<256xf32, #tpu.memory_space<vmem>>, vector<16xf32>,
    %swap3A_745 = vector.shape_cast %swap3A_744 : vector<16xf32> to vector<16xf32>
    %swap3A_746 = vector.shape_cast %add3A_730 : vector<16xf32> to vector<16xf32>
    tpu.vector_store %arg7[%swap3A_743], %swap3A_746 {strides = array<i32>} : memref<256xf32, #tpu.memory_space<vmem>>, vector<16xf32>,
    %get3A_747 = arith.constant 16 : index
    %get3A_748 = tpu.vector_load %arg5[%get3A_747] {strides = array<i32>} : memref<32xi32, #tpu.memory_space<vmem>>, vector<16xi32>,
    %get3A_749 = vector.shape_cast %get3A_748 : vector<16xi32> to vector<16xi32>
    %get3A_750 = arith.constant 16 : index
    %get3A_751 = tpu.vector_load %arg6[%get3A_750] {strides = array<i32>} : memref<32xf32, #tpu.memory_space<vmem>>, vector<16xf32>,
    %get3A_752 = vector.shape_cast %get3A_751 : vector<16xf32> to vector<16xf32>
    %slice3A_753 = vector.extract_strided_slice %get3A_749 {offsets = [0], sizes = [1], strides = [1]} : vector<16xi32> to vector<1xi32>
    %squeeze3A_754 = vector.extract %slice3A_753[0] : i32 from vector<1xi32>
    %slice3A_755 = vector.extract_strided_slice %get3A_752 {offsets = [0], sizes = [1], strides = [1]} : vector<16xf32> to vector<1xf32>
    %squeeze3A_756 = vector.extract %slice3A_755[0] : f32 from vector<1xf32>
    %add3A_757 = arith.constant 0 : i32
    %add3A_758 = vector.broadcast %add3A_757 : i32 to vector<16xi32>
    %add3A_759 = arith.addi %iota3A, %add3A_758 : vector<16xi32>
    %eq3A_760 = vector.broadcast %squeeze3A_754 : i32 to vector<16xi32>
    %eq3A_761 = arith.cmpi eq, %add3A_759, %eq3A_760 : vector<16xi32>
    %jit3A_762 = arith.constant 0.000000e+00 : f32
    %broadcast_in_dim3A_763 = vector.broadcast %squeeze3A_756 : f32 to vector<16xf32>
    %broadcast_in_dim3A_764 = vector.broadcast %jit3A_762 : f32 to vector<16xf32>
    %select_n3A_765 = arith.select %eq3A_761, %broadcast_in_dim3A_763, %broadcast_in_dim3A_764 : vector<16xi1>, vector<16xf32>
    %add3A_766 = arith.addf %broadcast_in_dim3A_5, %select_n3A_765 : vector<16xf32>
    %add3A_767 = arith.constant 16 : i32
    %add3A_768 = vector.broadcast %add3A_767 : i32 to vector<16xi32>
    %add3A_769 = arith.addi %iota3A, %add3A_768 : vector<16xi32>
    %eq3A_770 = vector.broadcast %squeeze3A_754 : i32 to vector<16xi32>
    %eq3A_771 = arith.cmpi eq, %add3A_769, %eq3A_770 : vector<16xi32>
    %jit3A_772 = arith.constant 0.000000e+00 : f32
    %broadcast_in_dim3A_773 = vector.broadcast %squeeze3A_756 : f32 to vector<16xf32>
    %broadcast_in_dim3A_774 = vector.broadcast %jit3A_772 : f32 to vector<16xf32>
    %select_n3A_775 = arith.select %eq3A_771, %broadcast_in_dim3A_773, %broadcast_in_dim3A_774 : vector<16xi1>, vector<16xf32>
    %add3A_776 = arith.addf %broadcast_in_dim3A_5, %select_n3A_775 : vector<16xf32>
    %add3A_777 = arith.constant 32 : i32
    %add3A_778 = vector.broadcast %add3A_777 : i32 to vector<16xi32>
    %add3A_779 = arith.addi %iota3A, %add3A_778 : vector<16xi32>
    %eq3A_780 = vector.broadcast %squeeze3A_754 : i32 to vector<16xi32>
    %eq3A_781 = arith.cmpi eq, %add3A_779, %eq3A_780 : vector<16xi32>
    %jit3A_782 = arith.constant 0.000000e+00 : f32
    %broadcast_in_dim3A_783 = vector.broadcast %squeeze3A_756 : f32 to vector<16xf32>
    %broadcast_in_dim3A_784 = vector.broadcast %jit3A_782 : f32 to vector<16xf32>
    %select_n3A_785 = arith.select %eq3A_781, %broadcast_in_dim3A_783, %broadcast_in_dim3A_784 : vector<16xi1>, vector<16xf32>
    %add3A_786 = arith.addf %broadcast_in_dim3A_5, %select_n3A_785 : vector<16xf32>
    %add3A_787 = arith.constant 48 : i32
    %add3A_788 = vector.broadcast %add3A_787 : i32 to vector<16xi32>
    %add3A_789 = arith.addi %iota3A, %add3A_788 : vector<16xi32>
    %eq3A_790 = vector.broadcast %squeeze3A_754 : i32 to vector<16xi32>
    %eq3A_791 = arith.cmpi eq, %add3A_789, %eq3A_790 : vector<16xi32>
    %jit3A_792 = arith.constant 0.000000e+00 : f32
    %broadcast_in_dim3A_793 = vector.broadcast %squeeze3A_756 : f32 to vector<16xf32>
    %broadcast_in_dim3A_794 = vector.broadcast %jit3A_792 : f32 to vector<16xf32>
    %select_n3A_795 = arith.select %eq3A_791, %broadcast_in_dim3A_793, %broadcast_in_dim3A_794 : vector<16xi1>, vector<16xf32>
    %add3A_796 = arith.addf %broadcast_in_dim3A_5, %select_n3A_795 : vector<16xf32>
    %slice3A_797 = vector.extract_strided_slice %get3A_749 {offsets = [1], sizes = [1], strides = [1]} : vector<16xi32> to vector<1xi32>
    %squeeze3A_798 = vector.extract %slice3A_797[0] : i32 from vector<1xi32>
    %slice3A_799 = vector.extract_strided_slice %get3A_752 {offsets = [1], sizes = [1], strides = [1]} : vector<16xf32> to vector<1xf32>
    %squeeze3A_800 = vector.extract %slice3A_799[0] : f32 from vector<1xf32>
    %add3A_801 = arith.constant 0 : i32
    %add3A_802 = vector.broadcast %add3A_801 : i32 to vector<16xi32>
    %add3A_803 = arith.addi %iota3A, %add3A_802 : vector<16xi32>
    %eq3A_804 = vector.broadcast %squeeze3A_798 : i32 to vector<16xi32>
    %eq3A_805 = arith.cmpi eq, %add3A_803, %eq3A_804 : vector<16xi32>
    %jit3A_806 = arith.constant 0.000000e+00 : f32
    %broadcast_in_dim3A_807 = vector.broadcast %squeeze3A_800 : f32 to vector<16xf32>
    %broadcast_in_dim3A_808 = vector.broadcast %jit3A_806 : f32 to vector<16xf32>
    %select_n3A_809 = arith.select %eq3A_805, %broadcast_in_dim3A_807, %broadcast_in_dim3A_808 : vector<16xi1>, vector<16xf32>
    %add3A_810 = arith.addf %add3A_766, %select_n3A_809 : vector<16xf32>
    %add3A_811 = arith.constant 16 : i32
    %add3A_812 = vector.broadcast %add3A_811 : i32 to vector<16xi32>
    %add3A_813 = arith.addi %iota3A, %add3A_812 : vector<16xi32>
    %eq3A_814 = vector.broadcast %squeeze3A_798 : i32 to vector<16xi32>
    %eq3A_815 = arith.cmpi eq, %add3A_813, %eq3A_814 : vector<16xi32>
    %jit3A_816 = arith.constant 0.000000e+00 : f32
    %broadcast_in_dim3A_817 = vector.broadcast %squeeze3A_800 : f32 to vector<16xf32>
    %broadcast_in_dim3A_818 = vector.broadcast %jit3A_816 : f32 to vector<16xf32>
    %select_n3A_819 = arith.select %eq3A_815, %broadcast_in_dim3A_817, %broadcast_in_dim3A_818 : vector<16xi1>, vector<16xf32>
    %add3A_820 = arith.addf %add3A_776, %select_n3A_819 : vector<16xf32>
    %add3A_821 = arith.constant 32 : i32
    %add3A_822 = vector.broadcast %add3A_821 : i32 to vector<16xi32>
    %add3A_823 = arith.addi %iota3A, %add3A_822 : vector<16xi32>
    %eq3A_824 = vector.broadcast %squeeze3A_798 : i32 to vector<16xi32>
    %eq3A_825 = arith.cmpi eq, %add3A_823, %eq3A_824 : vector<16xi32>
    %jit3A_826 = arith.constant 0.000000e+00 : f32
    %broadcast_in_dim3A_827 = vector.broadcast %squeeze3A_800 : f32 to vector<16xf32>
    %broadcast_in_dim3A_828 = vector.broadcast %jit3A_826 : f32 to vector<16xf32>
    %select_n3A_829 = arith.select %eq3A_825, %broadcast_in_dim3A_827, %broadcast_in_dim3A_828 : vector<16xi1>, vector<16xf32>
    %add3A_830 = arith.addf %add3A_786, %select_n3A_829 : vector<16xf32>
    %add3A_831 = arith.constant 48 : i32
    %add3A_832 = vector.broadcast %add3A_831 : i32 to vector<16xi32>
    %add3A_833 = arith.addi %iota3A, %add3A_832 : vector<16xi32>
    %eq3A_834 = vector.broadcast %squeeze3A_798 : i32 to vector<16xi32>
    %eq3A_835 = arith.cmpi eq, %add3A_833, %eq3A_834 : vector<16xi32>
    %jit3A_836 = arith.constant 0.000000e+00 : f32
    %broadcast_in_dim3A_837 = vector.broadcast %squeeze3A_800 : f32 to vector<16xf32>
    %broadcast_in_dim3A_838 = vector.broadcast %jit3A_836 : f32 to vector<16xf32>
    %select_n3A_839 = arith.select %eq3A_835, %broadcast_in_dim3A_837, %broadcast_in_dim3A_838 : vector<16xi1>, vector<16xf32>
    %add3A_840 = arith.addf %add3A_796, %select_n3A_839 : vector<16xf32>
    %slice3A_841 = vector.extract_strided_slice %get3A_749 {offsets = [2], sizes = [1], strides = [1]} : vector<16xi32> to vector<1xi32>
    %squeeze3A_842 = vector.extract %slice3A_841[0] : i32 from vector<1xi32>
    %slice3A_843 = vector.extract_strided_slice %get3A_752 {offsets = [2], sizes = [1], strides = [1]} : vector<16xf32> to vector<1xf32>
    %squeeze3A_844 = vector.extract %slice3A_843[0] : f32 from vector<1xf32>
    %add3A_845 = arith.constant 0 : i32
    %add3A_846 = vector.broadcast %add3A_845 : i32 to vector<16xi32>
    %add3A_847 = arith.addi %iota3A, %add3A_846 : vector<16xi32>
    %eq3A_848 = vector.broadcast %squeeze3A_842 : i32 to vector<16xi32>
    %eq3A_849 = arith.cmpi eq, %add3A_847, %eq3A_848 : vector<16xi32>
    %jit3A_850 = arith.constant 0.000000e+00 : f32
    %broadcast_in_dim3A_851 = vector.broadcast %squeeze3A_844 : f32 to vector<16xf32>
    %broadcast_in_dim3A_852 = vector.broadcast %jit3A_850 : f32 to vector<16xf32>
    %select_n3A_853 = arith.select %eq3A_849, %broadcast_in_dim3A_851, %broadcast_in_dim3A_852 : vector<16xi1>, vector<16xf32>
    %add3A_854 = arith.addf %add3A_810, %select_n3A_853 : vector<16xf32>
    %add3A_855 = arith.constant 16 : i32
    %add3A_856 = vector.broadcast %add3A_855 : i32 to vector<16xi32>
    %add3A_857 = arith.addi %iota3A, %add3A_856 : vector<16xi32>
    %eq3A_858 = vector.broadcast %squeeze3A_842 : i32 to vector<16xi32>
    %eq3A_859 = arith.cmpi eq, %add3A_857, %eq3A_858 : vector<16xi32>
    %jit3A_860 = arith.constant 0.000000e+00 : f32
    %broadcast_in_dim3A_861 = vector.broadcast %squeeze3A_844 : f32 to vector<16xf32>
    %broadcast_in_dim3A_862 = vector.broadcast %jit3A_860 : f32 to vector<16xf32>
    %select_n3A_863 = arith.select %eq3A_859, %broadcast_in_dim3A_861, %broadcast_in_dim3A_862 : vector<16xi1>, vector<16xf32>
    %add3A_864 = arith.addf %add3A_820, %select_n3A_863 : vector<16xf32>
    %add3A_865 = arith.constant 32 : i32
    %add3A_866 = vector.broadcast %add3A_865 : i32 to vector<16xi32>
    %add3A_867 = arith.addi %iota3A, %add3A_866 : vector<16xi32>
    %eq3A_868 = vector.broadcast %squeeze3A_842 : i32 to vector<16xi32>
    %eq3A_869 = arith.cmpi eq, %add3A_867, %eq3A_868 : vector<16xi32>
    %jit3A_870 = arith.constant 0.000000e+00 : f32
    %broadcast_in_dim3A_871 = vector.broadcast %squeeze3A_844 : f32 to vector<16xf32>
    %broadcast_in_dim3A_872 = vector.broadcast %jit3A_870 : f32 to vector<16xf32>
    %select_n3A_873 = arith.select %eq3A_869, %broadcast_in_dim3A_871, %broadcast_in_dim3A_872 : vector<16xi1>, vector<16xf32>
    %add3A_874 = arith.addf %add3A_830, %select_n3A_873 : vector<16xf32>
    %add3A_875 = arith.constant 48 : i32
    %add3A_876 = vector.broadcast %add3A_875 : i32 to vector<16xi32>
    %add3A_877 = arith.addi %iota3A, %add3A_876 : vector<16xi32>
    %eq3A_878 = vector.broadcast %squeeze3A_842 : i32 to vector<16xi32>
    %eq3A_879 = arith.cmpi eq, %add3A_877, %eq3A_878 : vector<16xi32>
    %jit3A_880 = arith.constant 0.000000e+00 : f32
    %broadcast_in_dim3A_881 = vector.broadcast %squeeze3A_844 : f32 to vector<16xf32>
    %broadcast_in_dim3A_882 = vector.broadcast %jit3A_880 : f32 to vector<16xf32>
    %select_n3A_883 = arith.select %eq3A_879, %broadcast_in_dim3A_881, %broadcast_in_dim3A_882 : vector<16xi1>, vector<16xf32>
    %add3A_884 = arith.addf %add3A_840, %select_n3A_883 : vector<16xf32>
    %slice3A_885 = vector.extract_strided_slice %get3A_749 {offsets = [3], sizes = [1], strides = [1]} : vector<16xi32> to vector<1xi32>
    %squeeze3A_886 = vector.extract %slice3A_885[0] : i32 from vector<1xi32>
    %slice3A_887 = vector.extract_strided_slice %get3A_752 {offsets = [3], sizes = [1], strides = [1]} : vector<16xf32> to vector<1xf32>
    %squeeze3A_888 = vector.extract %slice3A_887[0] : f32 from vector<1xf32>
    %add3A_889 = arith.constant 0 : i32
    %add3A_890 = vector.broadcast %add3A_889 : i32 to vector<16xi32>
    %add3A_891 = arith.addi %iota3A, %add3A_890 : vector<16xi32>
    %eq3A_892 = vector.broadcast %squeeze3A_886 : i32 to vector<16xi32>
    %eq3A_893 = arith.cmpi eq, %add3A_891, %eq3A_892 : vector<16xi32>
    %jit3A_894 = arith.constant 0.000000e+00 : f32
    %broadcast_in_dim3A_895 = vector.broadcast %squeeze3A_888 : f32 to vector<16xf32>
    %broadcast_in_dim3A_896 = vector.broadcast %jit3A_894 : f32 to vector<16xf32>
    %select_n3A_897 = arith.select %eq3A_893, %broadcast_in_dim3A_895, %broadcast_in_dim3A_896 : vector<16xi1>, vector<16xf32>
    %add3A_898 = arith.addf %add3A_854, %select_n3A_897 : vector<16xf32>
    %add3A_899 = arith.constant 16 : i32
    %add3A_900 = vector.broadcast %add3A_899 : i32 to vector<16xi32>
    %add3A_901 = arith.addi %iota3A, %add3A_900 : vector<16xi32>
    %eq3A_902 = vector.broadcast %squeeze3A_886 : i32 to vector<16xi32>
    %eq3A_903 = arith.cmpi eq, %add3A_901, %eq3A_902 : vector<16xi32>
    %jit3A_904 = arith.constant 0.000000e+00 : f32
    %broadcast_in_dim3A_905 = vector.broadcast %squeeze3A_888 : f32 to vector<16xf32>
    %broadcast_in_dim3A_906 = vector.broadcast %jit3A_904 : f32 to vector<16xf32>
    %select_n3A_907 = arith.select %eq3A_903, %broadcast_in_dim3A_905, %broadcast_in_dim3A_906 : vector<16xi1>, vector<16xf32>
    %add3A_908 = arith.addf %add3A_864, %select_n3A_907 : vector<16xf32>
    %add3A_909 = arith.constant 32 : i32
    %add3A_910 = vector.broadcast %add3A_909 : i32 to vector<16xi32>
    %add3A_911 = arith.addi %iota3A, %add3A_910 : vector<16xi32>
    %eq3A_912 = vector.broadcast %squeeze3A_886 : i32 to vector<16xi32>
    %eq3A_913 = arith.cmpi eq, %add3A_911, %eq3A_912 : vector<16xi32>
    %jit3A_914 = arith.constant 0.000000e+00 : f32
    %broadcast_in_dim3A_915 = vector.broadcast %squeeze3A_888 : f32 to vector<16xf32>
    %broadcast_in_dim3A_916 = vector.broadcast %jit3A_914 : f32 to vector<16xf32>
    %select_n3A_917 = arith.select %eq3A_913, %broadcast_in_dim3A_915, %broadcast_in_dim3A_916 : vector<16xi1>, vector<16xf32>
    %add3A_918 = arith.addf %add3A_874, %select_n3A_917 : vector<16xf32>
    %add3A_919 = arith.constant 48 : i32
    %add3A_920 = vector.broadcast %add3A_919 : i32 to vector<16xi32>
    %add3A_921 = arith.addi %iota3A, %add3A_920 : vector<16xi32>
    %eq3A_922 = vector.broadcast %squeeze3A_886 : i32 to vector<16xi32>
    %eq3A_923 = arith.cmpi eq, %add3A_921, %eq3A_922 : vector<16xi32>
    %jit3A_924 = arith.constant 0.000000e+00 : f32
    %broadcast_in_dim3A_925 = vector.broadcast %squeeze3A_888 : f32 to vector<16xf32>
    %broadcast_in_dim3A_926 = vector.broadcast %jit3A_924 : f32 to vector<16xf32>
    %select_n3A_927 = arith.select %eq3A_923, %broadcast_in_dim3A_925, %broadcast_in_dim3A_926 : vector<16xi1>, vector<16xf32>
    %add3A_928 = arith.addf %add3A_884, %select_n3A_927 : vector<16xf32>
    %slice3A_929 = vector.extract_strided_slice %get3A_749 {offsets = [4], sizes = [1], strides = [1]} : vector<16xi32> to vector<1xi32>
    %squeeze3A_930 = vector.extract %slice3A_929[0] : i32 from vector<1xi32>
    %slice3A_931 = vector.extract_strided_slice %get3A_752 {offsets = [4], sizes = [1], strides = [1]} : vector<16xf32> to vector<1xf32>
    %squeeze3A_932 = vector.extract %slice3A_931[0] : f32 from vector<1xf32>
    %add3A_933 = arith.constant 0 : i32
    %add3A_934 = vector.broadcast %add3A_933 : i32 to vector<16xi32>
    %add3A_935 = arith.addi %iota3A, %add3A_934 : vector<16xi32>
    %eq3A_936 = vector.broadcast %squeeze3A_930 : i32 to vector<16xi32>
    %eq3A_937 = arith.cmpi eq, %add3A_935, %eq3A_936 : vector<16xi32>
    %jit3A_938 = arith.constant 0.000000e+00 : f32
    %broadcast_in_dim3A_939 = vector.broadcast %squeeze3A_932 : f32 to vector<16xf32>
    %broadcast_in_dim3A_940 = vector.broadcast %jit3A_938 : f32 to vector<16xf32>
    %select_n3A_941 = arith.select %eq3A_937, %broadcast_in_dim3A_939, %broadcast_in_dim3A_940 : vector<16xi1>, vector<16xf32>
    %add3A_942 = arith.addf %add3A_898, %select_n3A_941 : vector<16xf32>
    %add3A_943 = arith.constant 16 : i32
    %add3A_944 = vector.broadcast %add3A_943 : i32 to vector<16xi32>
    %add3A_945 = arith.addi %iota3A, %add3A_944 : vector<16xi32>
    %eq3A_946 = vector.broadcast %squeeze3A_930 : i32 to vector<16xi32>
    %eq3A_947 = arith.cmpi eq, %add3A_945, %eq3A_946 : vector<16xi32>
    %jit3A_948 = arith.constant 0.000000e+00 : f32
    %broadcast_in_dim3A_949 = vector.broadcast %squeeze3A_932 : f32 to vector<16xf32>
    %broadcast_in_dim3A_950 = vector.broadcast %jit3A_948 : f32 to vector<16xf32>
    %select_n3A_951 = arith.select %eq3A_947, %broadcast_in_dim3A_949, %broadcast_in_dim3A_950 : vector<16xi1>, vector<16xf32>
    %add3A_952 = arith.addf %add3A_908, %select_n3A_951 : vector<16xf32>
    %add3A_953 = arith.constant 32 : i32
    %add3A_954 = vector.broadcast %add3A_953 : i32 to vector<16xi32>
    %add3A_955 = arith.addi %iota3A, %add3A_954 : vector<16xi32>
    %eq3A_956 = vector.broadcast %squeeze3A_930 : i32 to vector<16xi32>
    %eq3A_957 = arith.cmpi eq, %add3A_955, %eq3A_956 : vector<16xi32>
    %jit3A_958 = arith.constant 0.000000e+00 : f32
    %broadcast_in_dim3A_959 = vector.broadcast %squeeze3A_932 : f32 to vector<16xf32>
    %broadcast_in_dim3A_960 = vector.broadcast %jit3A_958 : f32 to vector<16xf32>
    %select_n3A_961 = arith.select %eq3A_957, %broadcast_in_dim3A_959, %broadcast_in_dim3A_960 : vector<16xi1>, vector<16xf32>
    %add3A_962 = arith.addf %add3A_918, %select_n3A_961 : vector<16xf32>
    %add3A_963 = arith.constant 48 : i32
    %add3A_964 = vector.broadcast %add3A_963 : i32 to vector<16xi32>
    %add3A_965 = arith.addi %iota3A, %add3A_964 : vector<16xi32>
    %eq3A_966 = vector.broadcast %squeeze3A_930 : i32 to vector<16xi32>
    %eq3A_967 = arith.cmpi eq, %add3A_965, %eq3A_966 : vector<16xi32>
    %jit3A_968 = arith.constant 0.000000e+00 : f32
    %broadcast_in_dim3A_969 = vector.broadcast %squeeze3A_932 : f32 to vector<16xf32>
    %broadcast_in_dim3A_970 = vector.broadcast %jit3A_968 : f32 to vector<16xf32>
    %select_n3A_971 = arith.select %eq3A_967, %broadcast_in_dim3A_969, %broadcast_in_dim3A_970 : vector<16xi1>, vector<16xf32>
    %add3A_972 = arith.addf %add3A_928, %select_n3A_971 : vector<16xf32>
    %slice3A_973 = vector.extract_strided_slice %get3A_749 {offsets = [5], sizes = [1], strides = [1]} : vector<16xi32> to vector<1xi32>
    %squeeze3A_974 = vector.extract %slice3A_973[0] : i32 from vector<1xi32>
    %slice3A_975 = vector.extract_strided_slice %get3A_752 {offsets = [5], sizes = [1], strides = [1]} : vector<16xf32> to vector<1xf32>
    %squeeze3A_976 = vector.extract %slice3A_975[0] : f32 from vector<1xf32>
    %add3A_977 = arith.constant 0 : i32
    %add3A_978 = vector.broadcast %add3A_977 : i32 to vector<16xi32>
    %add3A_979 = arith.addi %iota3A, %add3A_978 : vector<16xi32>
    %eq3A_980 = vector.broadcast %squeeze3A_974 : i32 to vector<16xi32>
    %eq3A_981 = arith.cmpi eq, %add3A_979, %eq3A_980 : vector<16xi32>
    %jit3A_982 = arith.constant 0.000000e+00 : f32
    %broadcast_in_dim3A_983 = vector.broadcast %squeeze3A_976 : f32 to vector<16xf32>
    %broadcast_in_dim3A_984 = vector.broadcast %jit3A_982 : f32 to vector<16xf32>
    %select_n3A_985 = arith.select %eq3A_981, %broadcast_in_dim3A_983, %broadcast_in_dim3A_984 : vector<16xi1>, vector<16xf32>
    %add3A_986 = arith.addf %add3A_942, %select_n3A_985 : vector<16xf32>
    %add3A_987 = arith.constant 16 : i32
    %add3A_988 = vector.broadcast %add3A_987 : i32 to vector<16xi32>
    %add3A_989 = arith.addi %iota3A, %add3A_988 : vector<16xi32>
    %eq3A_990 = vector.broadcast %squeeze3A_974 : i32 to vector<16xi32>
    %eq3A_991 = arith.cmpi eq, %add3A_989, %eq3A_990 : vector<16xi32>
    %jit3A_992 = arith.constant 0.000000e+00 : f32
    %broadcast_in_dim3A_993 = vector.broadcast %squeeze3A_976 : f32 to vector<16xf32>
    %broadcast_in_dim3A_994 = vector.broadcast %jit3A_992 : f32 to vector<16xf32>
    %select_n3A_995 = arith.select %eq3A_991, %broadcast_in_dim3A_993, %broadcast_in_dim3A_994 : vector<16xi1>, vector<16xf32>
    %add3A_996 = arith.addf %add3A_952, %select_n3A_995 : vector<16xf32>
    %add3A_997 = arith.constant 32 : i32
    %add3A_998 = vector.broadcast %add3A_997 : i32 to vector<16xi32>
    %add3A_999 = arith.addi %iota3A, %add3A_998 : vector<16xi32>
    %eq3A_1000 = vector.broadcast %squeeze3A_974 : i32 to vector<16xi32>
    %eq3A_1001 = arith.cmpi eq, %add3A_999, %eq3A_1000 : vector<16xi32>
    %jit3A_1002 = arith.constant 0.000000e+00 : f32
    %broadcast_in_dim3A_1003 = vector.broadcast %squeeze3A_976 : f32 to vector<16xf32>
    %broadcast_in_dim3A_1004 = vector.broadcast %jit3A_1002 : f32 to vector<16xf32>
    %select_n3A_1005 = arith.select %eq3A_1001, %broadcast_in_dim3A_1003, %broadcast_in_dim3A_1004 : vector<16xi1>, vector<16xf32>
    %add3A_1006 = arith.addf %add3A_962, %select_n3A_1005 : vector<16xf32>
    %add3A_1007 = arith.constant 48 : i32
    %add3A_1008 = vector.broadcast %add3A_1007 : i32 to vector<16xi32>
    %add3A_1009 = arith.addi %iota3A, %add3A_1008 : vector<16xi32>
    %eq3A_1010 = vector.broadcast %squeeze3A_974 : i32 to vector<16xi32>
    %eq3A_1011 = arith.cmpi eq, %add3A_1009, %eq3A_1010 : vector<16xi32>
    %jit3A_1012 = arith.constant 0.000000e+00 : f32
    %broadcast_in_dim3A_1013 = vector.broadcast %squeeze3A_976 : f32 to vector<16xf32>
    %broadcast_in_dim3A_1014 = vector.broadcast %jit3A_1012 : f32 to vector<16xf32>
    %select_n3A_1015 = arith.select %eq3A_1011, %broadcast_in_dim3A_1013, %broadcast_in_dim3A_1014 : vector<16xi1>, vector<16xf32>
    %add3A_1016 = arith.addf %add3A_972, %select_n3A_1015 : vector<16xf32>
    %slice3A_1017 = vector.extract_strided_slice %get3A_749 {offsets = [6], sizes = [1], strides = [1]} : vector<16xi32> to vector<1xi32>
    %squeeze3A_1018 = vector.extract %slice3A_1017[0] : i32 from vector<1xi32>
    %slice3A_1019 = vector.extract_strided_slice %get3A_752 {offsets = [6], sizes = [1], strides = [1]} : vector<16xf32> to vector<1xf32>
    %squeeze3A_1020 = vector.extract %slice3A_1019[0] : f32 from vector<1xf32>
    %add3A_1021 = arith.constant 0 : i32
    %add3A_1022 = vector.broadcast %add3A_1021 : i32 to vector<16xi32>
    %add3A_1023 = arith.addi %iota3A, %add3A_1022 : vector<16xi32>
    %eq3A_1024 = vector.broadcast %squeeze3A_1018 : i32 to vector<16xi32>
    %eq3A_1025 = arith.cmpi eq, %add3A_1023, %eq3A_1024 : vector<16xi32>
    %jit3A_1026 = arith.constant 0.000000e+00 : f32
    %broadcast_in_dim3A_1027 = vector.broadcast %squeeze3A_1020 : f32 to vector<16xf32>
    %broadcast_in_dim3A_1028 = vector.broadcast %jit3A_1026 : f32 to vector<16xf32>
    %select_n3A_1029 = arith.select %eq3A_1025, %broadcast_in_dim3A_1027, %broadcast_in_dim3A_1028 : vector<16xi1>, vector<16xf32>
    %add3A_1030 = arith.addf %add3A_986, %select_n3A_1029 : vector<16xf32>
    %add3A_1031 = arith.constant 16 : i32
    %add3A_1032 = vector.broadcast %add3A_1031 : i32 to vector<16xi32>
    %add3A_1033 = arith.addi %iota3A, %add3A_1032 : vector<16xi32>
    %eq3A_1034 = vector.broadcast %squeeze3A_1018 : i32 to vector<16xi32>
    %eq3A_1035 = arith.cmpi eq, %add3A_1033, %eq3A_1034 : vector<16xi32>
    %jit3A_1036 = arith.constant 0.000000e+00 : f32
    %broadcast_in_dim3A_1037 = vector.broadcast %squeeze3A_1020 : f32 to vector<16xf32>
    %broadcast_in_dim3A_1038 = vector.broadcast %jit3A_1036 : f32 to vector<16xf32>
    %select_n3A_1039 = arith.select %eq3A_1035, %broadcast_in_dim3A_1037, %broadcast_in_dim3A_1038 : vector<16xi1>, vector<16xf32>
    %add3A_1040 = arith.addf %add3A_996, %select_n3A_1039 : vector<16xf32>
    %add3A_1041 = arith.constant 32 : i32
    %add3A_1042 = vector.broadcast %add3A_1041 : i32 to vector<16xi32>
    %add3A_1043 = arith.addi %iota3A, %add3A_1042 : vector<16xi32>
    %eq3A_1044 = vector.broadcast %squeeze3A_1018 : i32 to vector<16xi32>
    %eq3A_1045 = arith.cmpi eq, %add3A_1043, %eq3A_1044 : vector<16xi32>
    %jit3A_1046 = arith.constant 0.000000e+00 : f32
    %broadcast_in_dim3A_1047 = vector.broadcast %squeeze3A_1020 : f32 to vector<16xf32>
    %broadcast_in_dim3A_1048 = vector.broadcast %jit3A_1046 : f32 to vector<16xf32>
    %select_n3A_1049 = arith.select %eq3A_1045, %broadcast_in_dim3A_1047, %broadcast_in_dim3A_1048 : vector<16xi1>, vector<16xf32>
    %add3A_1050 = arith.addf %add3A_1006, %select_n3A_1049 : vector<16xf32>
    %add3A_1051 = arith.constant 48 : i32
    %add3A_1052 = vector.broadcast %add3A_1051 : i32 to vector<16xi32>
    %add3A_1053 = arith.addi %iota3A, %add3A_1052 : vector<16xi32>
    %eq3A_1054 = vector.broadcast %squeeze3A_1018 : i32 to vector<16xi32>
    %eq3A_1055 = arith.cmpi eq, %add3A_1053, %eq3A_1054 : vector<16xi32>
    %jit3A_1056 = arith.constant 0.000000e+00 : f32
    %broadcast_in_dim3A_1057 = vector.broadcast %squeeze3A_1020 : f32 to vector<16xf32>
    %broadcast_in_dim3A_1058 = vector.broadcast %jit3A_1056 : f32 to vector<16xf32>
    %select_n3A_1059 = arith.select %eq3A_1055, %broadcast_in_dim3A_1057, %broadcast_in_dim3A_1058 : vector<16xi1>, vector<16xf32>
    %add3A_1060 = arith.addf %add3A_1016, %select_n3A_1059 : vector<16xf32>
    %slice3A_1061 = vector.extract_strided_slice %get3A_749 {offsets = [7], sizes = [1], strides = [1]} : vector<16xi32> to vector<1xi32>
    %squeeze3A_1062 = vector.extract %slice3A_1061[0] : i32 from vector<1xi32>
    %slice3A_1063 = vector.extract_strided_slice %get3A_752 {offsets = [7], sizes = [1], strides = [1]} : vector<16xf32> to vector<1xf32>
    %squeeze3A_1064 = vector.extract %slice3A_1063[0] : f32 from vector<1xf32>
    %add3A_1065 = arith.constant 0 : i32
    %add3A_1066 = vector.broadcast %add3A_1065 : i32 to vector<16xi32>
    %add3A_1067 = arith.addi %iota3A, %add3A_1066 : vector<16xi32>
    %eq3A_1068 = vector.broadcast %squeeze3A_1062 : i32 to vector<16xi32>
    %eq3A_1069 = arith.cmpi eq, %add3A_1067, %eq3A_1068 : vector<16xi32>
    %jit3A_1070 = arith.constant 0.000000e+00 : f32
    %broadcast_in_dim3A_1071 = vector.broadcast %squeeze3A_1064 : f32 to vector<16xf32>
    %broadcast_in_dim3A_1072 = vector.broadcast %jit3A_1070 : f32 to vector<16xf32>
    %select_n3A_1073 = arith.select %eq3A_1069, %broadcast_in_dim3A_1071, %broadcast_in_dim3A_1072 : vector<16xi1>, vector<16xf32>
    %add3A_1074 = arith.addf %add3A_1030, %select_n3A_1073 : vector<16xf32>
    %add3A_1075 = arith.constant 16 : i32
    %add3A_1076 = vector.broadcast %add3A_1075 : i32 to vector<16xi32>
    %add3A_1077 = arith.addi %iota3A, %add3A_1076 : vector<16xi32>
    %eq3A_1078 = vector.broadcast %squeeze3A_1062 : i32 to vector<16xi32>
    %eq3A_1079 = arith.cmpi eq, %add3A_1077, %eq3A_1078 : vector<16xi32>
    %jit3A_1080 = arith.constant 0.000000e+00 : f32
    %broadcast_in_dim3A_1081 = vector.broadcast %squeeze3A_1064 : f32 to vector<16xf32>
    %broadcast_in_dim3A_1082 = vector.broadcast %jit3A_1080 : f32 to vector<16xf32>
    %select_n3A_1083 = arith.select %eq3A_1079, %broadcast_in_dim3A_1081, %broadcast_in_dim3A_1082 : vector<16xi1>, vector<16xf32>
    %add3A_1084 = arith.addf %add3A_1040, %select_n3A_1083 : vector<16xf32>
    %add3A_1085 = arith.constant 32 : i32
    %add3A_1086 = vector.broadcast %add3A_1085 : i32 to vector<16xi32>
    %add3A_1087 = arith.addi %iota3A, %add3A_1086 : vector<16xi32>
    %eq3A_1088 = vector.broadcast %squeeze3A_1062 : i32 to vector<16xi32>
    %eq3A_1089 = arith.cmpi eq, %add3A_1087, %eq3A_1088 : vector<16xi32>
    %jit3A_1090 = arith.constant 0.000000e+00 : f32
    %broadcast_in_dim3A_1091 = vector.broadcast %squeeze3A_1064 : f32 to vector<16xf32>
    %broadcast_in_dim3A_1092 = vector.broadcast %jit3A_1090 : f32 to vector<16xf32>
    %select_n3A_1093 = arith.select %eq3A_1089, %broadcast_in_dim3A_1091, %broadcast_in_dim3A_1092 : vector<16xi1>, vector<16xf32>
    %add3A_1094 = arith.addf %add3A_1050, %select_n3A_1093 : vector<16xf32>
    %add3A_1095 = arith.constant 48 : i32
    %add3A_1096 = vector.broadcast %add3A_1095 : i32 to vector<16xi32>
    %add3A_1097 = arith.addi %iota3A, %add3A_1096 : vector<16xi32>
    %eq3A_1098 = vector.broadcast %squeeze3A_1062 : i32 to vector<16xi32>
    %eq3A_1099 = arith.cmpi eq, %add3A_1097, %eq3A_1098 : vector<16xi32>
    %jit3A_1100 = arith.constant 0.000000e+00 : f32
    %broadcast_in_dim3A_1101 = vector.broadcast %squeeze3A_1064 : f32 to vector<16xf32>
    %broadcast_in_dim3A_1102 = vector.broadcast %jit3A_1100 : f32 to vector<16xf32>
    %select_n3A_1103 = arith.select %eq3A_1099, %broadcast_in_dim3A_1101, %broadcast_in_dim3A_1102 : vector<16xi1>, vector<16xf32>
    %add3A_1104 = arith.addf %add3A_1060, %select_n3A_1103 : vector<16xf32>
    %swap3A_1105 = arith.constant 128 : index
    %swap3A_1106 = tpu.vector_load %arg7[%swap3A_1105] {strides = array<i32>} : memref<256xf32, #tpu.memory_space<vmem>>, vector<16xf32>,
    %swap3A_1107 = vector.shape_cast %swap3A_1106 : vector<16xf32> to vector<16xf32>
    %swap3A_1108 = vector.shape_cast %add3A_1074 : vector<16xf32> to vector<16xf32>
    tpu.vector_store %arg7[%swap3A_1105], %swap3A_1108 {strides = array<i32>} : memref<256xf32, #tpu.memory_space<vmem>>, vector<16xf32>,
    %swap3A_1109 = arith.constant 144 : index
    %swap3A_1110 = tpu.vector_load %arg7[%swap3A_1109] {strides = array<i32>} : memref<256xf32, #tpu.memory_space<vmem>>, vector<16xf32>,
    %swap3A_1111 = vector.shape_cast %swap3A_1110 : vector<16xf32> to vector<16xf32>
    %swap3A_1112 = vector.shape_cast %add3A_1084 : vector<16xf32> to vector<16xf32>
    tpu.vector_store %arg7[%swap3A_1109], %swap3A_1112 {strides = array<i32>} : memref<256xf32, #tpu.memory_space<vmem>>, vector<16xf32>,
    %swap3A_1113 = arith.constant 160 : index
    %swap3A_1114 = tpu.vector_load %arg7[%swap3A_1113] {strides = array<i32>} : memref<256xf32, #tpu.memory_space<vmem>>, vector<16xf32>,
    %swap3A_1115 = vector.shape_cast %swap3A_1114 : vector<16xf32> to vector<16xf32>
    %swap3A_1116 = vector.shape_cast %add3A_1094 : vector<16xf32> to vector<16xf32>
    tpu.vector_store %arg7[%swap3A_1113], %swap3A_1116 {strides = array<i32>} : memref<256xf32, #tpu.memory_space<vmem>>, vector<16xf32>,
    %swap3A_1117 = arith.constant 176 : index
    %swap3A_1118 = tpu.vector_load %arg7[%swap3A_1117] {strides = array<i32>} : memref<256xf32, #tpu.memory_space<vmem>>, vector<16xf32>,
    %swap3A_1119 = vector.shape_cast %swap3A_1118 : vector<16xf32> to vector<16xf32>
    %swap3A_1120 = vector.shape_cast %add3A_1104 : vector<16xf32> to vector<16xf32>
    tpu.vector_store %arg7[%swap3A_1117], %swap3A_1120 {strides = array<i32>} : memref<256xf32, #tpu.memory_space<vmem>>, vector<16xf32>,
    %get3A_1121 = arith.constant 16 : index
    %get3A_1122 = tpu.vector_load %arg5[%get3A_1121] {strides = array<i32>} : memref<32xi32, #tpu.memory_space<vmem>>, vector<16xi32>,
    %get3A_1123 = vector.shape_cast %get3A_1122 : vector<16xi32> to vector<16xi32>
    %get3A_1124 = arith.constant 16 : index
    %get3A_1125 = tpu.vector_load %arg6[%get3A_1124] {strides = array<i32>} : memref<32xf32, #tpu.memory_space<vmem>>, vector<16xf32>,
    %get3A_1126 = vector.shape_cast %get3A_1125 : vector<16xf32> to vector<16xf32>
    %slice3A_1127 = vector.extract_strided_slice %get3A_1123 {offsets = [8], sizes = [1], strides = [1]} : vector<16xi32> to vector<1xi32>
    %squeeze3A_1128 = vector.extract %slice3A_1127[0] : i32 from vector<1xi32>
    %slice3A_1129 = vector.extract_strided_slice %get3A_1126 {offsets = [8], sizes = [1], strides = [1]} : vector<16xf32> to vector<1xf32>
    %squeeze3A_1130 = vector.extract %slice3A_1129[0] : f32 from vector<1xf32>
    %add3A_1131 = arith.constant 0 : i32
    %add3A_1132 = vector.broadcast %add3A_1131 : i32 to vector<16xi32>
    %add3A_1133 = arith.addi %iota3A, %add3A_1132 : vector<16xi32>
    %eq3A_1134 = vector.broadcast %squeeze3A_1128 : i32 to vector<16xi32>
    %eq3A_1135 = arith.cmpi eq, %add3A_1133, %eq3A_1134 : vector<16xi32>
    %jit3A_1136 = arith.constant 0.000000e+00 : f32
    %broadcast_in_dim3A_1137 = vector.broadcast %squeeze3A_1130 : f32 to vector<16xf32>
    %broadcast_in_dim3A_1138 = vector.broadcast %jit3A_1136 : f32 to vector<16xf32>
    %select_n3A_1139 = arith.select %eq3A_1135, %broadcast_in_dim3A_1137, %broadcast_in_dim3A_1138 : vector<16xi1>, vector<16xf32>
    %add3A_1140 = arith.addf %broadcast_in_dim3A_5, %select_n3A_1139 : vector<16xf32>
    %add3A_1141 = arith.constant 16 : i32
    %add3A_1142 = vector.broadcast %add3A_1141 : i32 to vector<16xi32>
    %add3A_1143 = arith.addi %iota3A, %add3A_1142 : vector<16xi32>
    %eq3A_1144 = vector.broadcast %squeeze3A_1128 : i32 to vector<16xi32>
    %eq3A_1145 = arith.cmpi eq, %add3A_1143, %eq3A_1144 : vector<16xi32>
    %jit3A_1146 = arith.constant 0.000000e+00 : f32
    %broadcast_in_dim3A_1147 = vector.broadcast %squeeze3A_1130 : f32 to vector<16xf32>
    %broadcast_in_dim3A_1148 = vector.broadcast %jit3A_1146 : f32 to vector<16xf32>
    %select_n3A_1149 = arith.select %eq3A_1145, %broadcast_in_dim3A_1147, %broadcast_in_dim3A_1148 : vector<16xi1>, vector<16xf32>
    %add3A_1150 = arith.addf %broadcast_in_dim3A_5, %select_n3A_1149 : vector<16xf32>
    %add3A_1151 = arith.constant 32 : i32
    %add3A_1152 = vector.broadcast %add3A_1151 : i32 to vector<16xi32>
    %add3A_1153 = arith.addi %iota3A, %add3A_1152 : vector<16xi32>
    %eq3A_1154 = vector.broadcast %squeeze3A_1128 : i32 to vector<16xi32>
    %eq3A_1155 = arith.cmpi eq, %add3A_1153, %eq3A_1154 : vector<16xi32>
    %jit3A_1156 = arith.constant 0.000000e+00 : f32
    %broadcast_in_dim3A_1157 = vector.broadcast %squeeze3A_1130 : f32 to vector<16xf32>
    %broadcast_in_dim3A_1158 = vector.broadcast %jit3A_1156 : f32 to vector<16xf32>
    %select_n3A_1159 = arith.select %eq3A_1155, %broadcast_in_dim3A_1157, %broadcast_in_dim3A_1158 : vector<16xi1>, vector<16xf32>
    %add3A_1160 = arith.addf %broadcast_in_dim3A_5, %select_n3A_1159 : vector<16xf32>
    %add3A_1161 = arith.constant 48 : i32
    %add3A_1162 = vector.broadcast %add3A_1161 : i32 to vector<16xi32>
    %add3A_1163 = arith.addi %iota3A, %add3A_1162 : vector<16xi32>
    %eq3A_1164 = vector.broadcast %squeeze3A_1128 : i32 to vector<16xi32>
    %eq3A_1165 = arith.cmpi eq, %add3A_1163, %eq3A_1164 : vector<16xi32>
    %jit3A_1166 = arith.constant 0.000000e+00 : f32
    %broadcast_in_dim3A_1167 = vector.broadcast %squeeze3A_1130 : f32 to vector<16xf32>
    %broadcast_in_dim3A_1168 = vector.broadcast %jit3A_1166 : f32 to vector<16xf32>
    %select_n3A_1169 = arith.select %eq3A_1165, %broadcast_in_dim3A_1167, %broadcast_in_dim3A_1168 : vector<16xi1>, vector<16xf32>
    %add3A_1170 = arith.addf %broadcast_in_dim3A_5, %select_n3A_1169 : vector<16xf32>
    %slice3A_1171 = vector.extract_strided_slice %get3A_1123 {offsets = [9], sizes = [1], strides = [1]} : vector<16xi32> to vector<1xi32>
    %squeeze3A_1172 = vector.extract %slice3A_1171[0] : i32 from vector<1xi32>
    %slice3A_1173 = vector.extract_strided_slice %get3A_1126 {offsets = [9], sizes = [1], strides = [1]} : vector<16xf32> to vector<1xf32>
    %squeeze3A_1174 = vector.extract %slice3A_1173[0] : f32 from vector<1xf32>
    %add3A_1175 = arith.constant 0 : i32
    %add3A_1176 = vector.broadcast %add3A_1175 : i32 to vector<16xi32>
    %add3A_1177 = arith.addi %iota3A, %add3A_1176 : vector<16xi32>
    %eq3A_1178 = vector.broadcast %squeeze3A_1172 : i32 to vector<16xi32>
    %eq3A_1179 = arith.cmpi eq, %add3A_1177, %eq3A_1178 : vector<16xi32>
    %jit3A_1180 = arith.constant 0.000000e+00 : f32
    %broadcast_in_dim3A_1181 = vector.broadcast %squeeze3A_1174 : f32 to vector<16xf32>
    %broadcast_in_dim3A_1182 = vector.broadcast %jit3A_1180 : f32 to vector<16xf32>
    %select_n3A_1183 = arith.select %eq3A_1179, %broadcast_in_dim3A_1181, %broadcast_in_dim3A_1182 : vector<16xi1>, vector<16xf32>
    %add3A_1184 = arith.addf %add3A_1140, %select_n3A_1183 : vector<16xf32>
    %add3A_1185 = arith.constant 16 : i32
    %add3A_1186 = vector.broadcast %add3A_1185 : i32 to vector<16xi32>
    %add3A_1187 = arith.addi %iota3A, %add3A_1186 : vector<16xi32>
    %eq3A_1188 = vector.broadcast %squeeze3A_1172 : i32 to vector<16xi32>
    %eq3A_1189 = arith.cmpi eq, %add3A_1187, %eq3A_1188 : vector<16xi32>
    %jit3A_1190 = arith.constant 0.000000e+00 : f32
    %broadcast_in_dim3A_1191 = vector.broadcast %squeeze3A_1174 : f32 to vector<16xf32>
    %broadcast_in_dim3A_1192 = vector.broadcast %jit3A_1190 : f32 to vector<16xf32>
    %select_n3A_1193 = arith.select %eq3A_1189, %broadcast_in_dim3A_1191, %broadcast_in_dim3A_1192 : vector<16xi1>, vector<16xf32>
    %add3A_1194 = arith.addf %add3A_1150, %select_n3A_1193 : vector<16xf32>
    %add3A_1195 = arith.constant 32 : i32
    %add3A_1196 = vector.broadcast %add3A_1195 : i32 to vector<16xi32>
    %add3A_1197 = arith.addi %iota3A, %add3A_1196 : vector<16xi32>
    %eq3A_1198 = vector.broadcast %squeeze3A_1172 : i32 to vector<16xi32>
    %eq3A_1199 = arith.cmpi eq, %add3A_1197, %eq3A_1198 : vector<16xi32>
    %jit3A_1200 = arith.constant 0.000000e+00 : f32
    %broadcast_in_dim3A_1201 = vector.broadcast %squeeze3A_1174 : f32 to vector<16xf32>
    %broadcast_in_dim3A_1202 = vector.broadcast %jit3A_1200 : f32 to vector<16xf32>
    %select_n3A_1203 = arith.select %eq3A_1199, %broadcast_in_dim3A_1201, %broadcast_in_dim3A_1202 : vector<16xi1>, vector<16xf32>
    %add3A_1204 = arith.addf %add3A_1160, %select_n3A_1203 : vector<16xf32>
    %add3A_1205 = arith.constant 48 : i32
    %add3A_1206 = vector.broadcast %add3A_1205 : i32 to vector<16xi32>
    %add3A_1207 = arith.addi %iota3A, %add3A_1206 : vector<16xi32>
    %eq3A_1208 = vector.broadcast %squeeze3A_1172 : i32 to vector<16xi32>
    %eq3A_1209 = arith.cmpi eq, %add3A_1207, %eq3A_1208 : vector<16xi32>
    %jit3A_1210 = arith.constant 0.000000e+00 : f32
    %broadcast_in_dim3A_1211 = vector.broadcast %squeeze3A_1174 : f32 to vector<16xf32>
    %broadcast_in_dim3A_1212 = vector.broadcast %jit3A_1210 : f32 to vector<16xf32>
    %select_n3A_1213 = arith.select %eq3A_1209, %broadcast_in_dim3A_1211, %broadcast_in_dim3A_1212 : vector<16xi1>, vector<16xf32>
    %add3A_1214 = arith.addf %add3A_1170, %select_n3A_1213 : vector<16xf32>
    %slice3A_1215 = vector.extract_strided_slice %get3A_1123 {offsets = [10], sizes = [1], strides = [1]} : vector<16xi32> to vector<1xi32>
    %squeeze3A_1216 = vector.extract %slice3A_1215[0] : i32 from vector<1xi32>
    %slice3A_1217 = vector.extract_strided_slice %get3A_1126 {offsets = [10], sizes = [1], strides = [1]} : vector<16xf32> to vector<1xf32>
    %squeeze3A_1218 = vector.extract %slice3A_1217[0] : f32 from vector<1xf32>
    %add3A_1219 = arith.constant 0 : i32
    %add3A_1220 = vector.broadcast %add3A_1219 : i32 to vector<16xi32>
    %add3A_1221 = arith.addi %iota3A, %add3A_1220 : vector<16xi32>
    %eq3A_1222 = vector.broadcast %squeeze3A_1216 : i32 to vector<16xi32>
    %eq3A_1223 = arith.cmpi eq, %add3A_1221, %eq3A_1222 : vector<16xi32>
    %jit3A_1224 = arith.constant 0.000000e+00 : f32
    %broadcast_in_dim3A_1225 = vector.broadcast %squeeze3A_1218 : f32 to vector<16xf32>
    %broadcast_in_dim3A_1226 = vector.broadcast %jit3A_1224 : f32 to vector<16xf32>
    %select_n3A_1227 = arith.select %eq3A_1223, %broadcast_in_dim3A_1225, %broadcast_in_dim3A_1226 : vector<16xi1>, vector<16xf32>
    %add3A_1228 = arith.addf %add3A_1184, %select_n3A_1227 : vector<16xf32>
    %add3A_1229 = arith.constant 16 : i32
    %add3A_1230 = vector.broadcast %add3A_1229 : i32 to vector<16xi32>
    %add3A_1231 = arith.addi %iota3A, %add3A_1230 : vector<16xi32>
    %eq3A_1232 = vector.broadcast %squeeze3A_1216 : i32 to vector<16xi32>
    %eq3A_1233 = arith.cmpi eq, %add3A_1231, %eq3A_1232 : vector<16xi32>
    %jit3A_1234 = arith.constant 0.000000e+00 : f32
    %broadcast_in_dim3A_1235 = vector.broadcast %squeeze3A_1218 : f32 to vector<16xf32>
    %broadcast_in_dim3A_1236 = vector.broadcast %jit3A_1234 : f32 to vector<16xf32>
    %select_n3A_1237 = arith.select %eq3A_1233, %broadcast_in_dim3A_1235, %broadcast_in_dim3A_1236 : vector<16xi1>, vector<16xf32>
    %add3A_1238 = arith.addf %add3A_1194, %select_n3A_1237 : vector<16xf32>
    %add3A_1239 = arith.constant 32 : i32
    %add3A_1240 = vector.broadcast %add3A_1239 : i32 to vector<16xi32>
    %add3A_1241 = arith.addi %iota3A, %add3A_1240 : vector<16xi32>
    %eq3A_1242 = vector.broadcast %squeeze3A_1216 : i32 to vector<16xi32>
    %eq3A_1243 = arith.cmpi eq, %add3A_1241, %eq3A_1242 : vector<16xi32>
    %jit3A_1244 = arith.constant 0.000000e+00 : f32
    %broadcast_in_dim3A_1245 = vector.broadcast %squeeze3A_1218 : f32 to vector<16xf32>
    %broadcast_in_dim3A_1246 = vector.broadcast %jit3A_1244 : f32 to vector<16xf32>
    %select_n3A_1247 = arith.select %eq3A_1243, %broadcast_in_dim3A_1245, %broadcast_in_dim3A_1246 : vector<16xi1>, vector<16xf32>
    %add3A_1248 = arith.addf %add3A_1204, %select_n3A_1247 : vector<16xf32>
    %add3A_1249 = arith.constant 48 : i32
    %add3A_1250 = vector.broadcast %add3A_1249 : i32 to vector<16xi32>
    %add3A_1251 = arith.addi %iota3A, %add3A_1250 : vector<16xi32>
    %eq3A_1252 = vector.broadcast %squeeze3A_1216 : i32 to vector<16xi32>
    %eq3A_1253 = arith.cmpi eq, %add3A_1251, %eq3A_1252 : vector<16xi32>
    %jit3A_1254 = arith.constant 0.000000e+00 : f32
    %broadcast_in_dim3A_1255 = vector.broadcast %squeeze3A_1218 : f32 to vector<16xf32>
    %broadcast_in_dim3A_1256 = vector.broadcast %jit3A_1254 : f32 to vector<16xf32>
    %select_n3A_1257 = arith.select %eq3A_1253, %broadcast_in_dim3A_1255, %broadcast_in_dim3A_1256 : vector<16xi1>, vector<16xf32>
    %add3A_1258 = arith.addf %add3A_1214, %select_n3A_1257 : vector<16xf32>
    %slice3A_1259 = vector.extract_strided_slice %get3A_1123 {offsets = [11], sizes = [1], strides = [1]} : vector<16xi32> to vector<1xi32>
    %squeeze3A_1260 = vector.extract %slice3A_1259[0] : i32 from vector<1xi32>
    %slice3A_1261 = vector.extract_strided_slice %get3A_1126 {offsets = [11], sizes = [1], strides = [1]} : vector<16xf32> to vector<1xf32>
    %squeeze3A_1262 = vector.extract %slice3A_1261[0] : f32 from vector<1xf32>
    %add3A_1263 = arith.constant 0 : i32
    %add3A_1264 = vector.broadcast %add3A_1263 : i32 to vector<16xi32>
    %add3A_1265 = arith.addi %iota3A, %add3A_1264 : vector<16xi32>
    %eq3A_1266 = vector.broadcast %squeeze3A_1260 : i32 to vector<16xi32>
    %eq3A_1267 = arith.cmpi eq, %add3A_1265, %eq3A_1266 : vector<16xi32>
    %jit3A_1268 = arith.constant 0.000000e+00 : f32
    %broadcast_in_dim3A_1269 = vector.broadcast %squeeze3A_1262 : f32 to vector<16xf32>
    %broadcast_in_dim3A_1270 = vector.broadcast %jit3A_1268 : f32 to vector<16xf32>
    %select_n3A_1271 = arith.select %eq3A_1267, %broadcast_in_dim3A_1269, %broadcast_in_dim3A_1270 : vector<16xi1>, vector<16xf32>
    %add3A_1272 = arith.addf %add3A_1228, %select_n3A_1271 : vector<16xf32>
    %add3A_1273 = arith.constant 16 : i32
    %add3A_1274 = vector.broadcast %add3A_1273 : i32 to vector<16xi32>
    %add3A_1275 = arith.addi %iota3A, %add3A_1274 : vector<16xi32>
    %eq3A_1276 = vector.broadcast %squeeze3A_1260 : i32 to vector<16xi32>
    %eq3A_1277 = arith.cmpi eq, %add3A_1275, %eq3A_1276 : vector<16xi32>
    %jit3A_1278 = arith.constant 0.000000e+00 : f32
    %broadcast_in_dim3A_1279 = vector.broadcast %squeeze3A_1262 : f32 to vector<16xf32>
    %broadcast_in_dim3A_1280 = vector.broadcast %jit3A_1278 : f32 to vector<16xf32>
    %select_n3A_1281 = arith.select %eq3A_1277, %broadcast_in_dim3A_1279, %broadcast_in_dim3A_1280 : vector<16xi1>, vector<16xf32>
    %add3A_1282 = arith.addf %add3A_1238, %select_n3A_1281 : vector<16xf32>
    %add3A_1283 = arith.constant 32 : i32
    %add3A_1284 = vector.broadcast %add3A_1283 : i32 to vector<16xi32>
    %add3A_1285 = arith.addi %iota3A, %add3A_1284 : vector<16xi32>
    %eq3A_1286 = vector.broadcast %squeeze3A_1260 : i32 to vector<16xi32>
    %eq3A_1287 = arith.cmpi eq, %add3A_1285, %eq3A_1286 : vector<16xi32>
    %jit3A_1288 = arith.constant 0.000000e+00 : f32
    %broadcast_in_dim3A_1289 = vector.broadcast %squeeze3A_1262 : f32 to vector<16xf32>
    %broadcast_in_dim3A_1290 = vector.broadcast %jit3A_1288 : f32 to vector<16xf32>
    %select_n3A_1291 = arith.select %eq3A_1287, %broadcast_in_dim3A_1289, %broadcast_in_dim3A_1290 : vector<16xi1>, vector<16xf32>
    %add3A_1292 = arith.addf %add3A_1248, %select_n3A_1291 : vector<16xf32>
    %add3A_1293 = arith.constant 48 : i32
    %add3A_1294 = vector.broadcast %add3A_1293 : i32 to vector<16xi32>
    %add3A_1295 = arith.addi %iota3A, %add3A_1294 : vector<16xi32>
    %eq3A_1296 = vector.broadcast %squeeze3A_1260 : i32 to vector<16xi32>
    %eq3A_1297 = arith.cmpi eq, %add3A_1295, %eq3A_1296 : vector<16xi32>
    %jit3A_1298 = arith.constant 0.000000e+00 : f32
    %broadcast_in_dim3A_1299 = vector.broadcast %squeeze3A_1262 : f32 to vector<16xf32>
    %broadcast_in_dim3A_1300 = vector.broadcast %jit3A_1298 : f32 to vector<16xf32>
    %select_n3A_1301 = arith.select %eq3A_1297, %broadcast_in_dim3A_1299, %broadcast_in_dim3A_1300 : vector<16xi1>, vector<16xf32>
    %add3A_1302 = arith.addf %add3A_1258, %select_n3A_1301 : vector<16xf32>
    %slice3A_1303 = vector.extract_strided_slice %get3A_1123 {offsets = [12], sizes = [1], strides = [1]} : vector<16xi32> to vector<1xi32>
    %squeeze3A_1304 = vector.extract %slice3A_1303[0] : i32 from vector<1xi32>
    %slice3A_1305 = vector.extract_strided_slice %get3A_1126 {offsets = [12], sizes = [1], strides = [1]} : vector<16xf32> to vector<1xf32>
    %squeeze3A_1306 = vector.extract %slice3A_1305[0] : f32 from vector<1xf32>
    %add3A_1307 = arith.constant 0 : i32
    %add3A_1308 = vector.broadcast %add3A_1307 : i32 to vector<16xi32>
    %add3A_1309 = arith.addi %iota3A, %add3A_1308 : vector<16xi32>
    %eq3A_1310 = vector.broadcast %squeeze3A_1304 : i32 to vector<16xi32>
    %eq3A_1311 = arith.cmpi eq, %add3A_1309, %eq3A_1310 : vector<16xi32>
    %jit3A_1312 = arith.constant 0.000000e+00 : f32
    %broadcast_in_dim3A_1313 = vector.broadcast %squeeze3A_1306 : f32 to vector<16xf32>
    %broadcast_in_dim3A_1314 = vector.broadcast %jit3A_1312 : f32 to vector<16xf32>
    %select_n3A_1315 = arith.select %eq3A_1311, %broadcast_in_dim3A_1313, %broadcast_in_dim3A_1314 : vector<16xi1>, vector<16xf32>
    %add3A_1316 = arith.addf %add3A_1272, %select_n3A_1315 : vector<16xf32>
    %add3A_1317 = arith.constant 16 : i32
    %add3A_1318 = vector.broadcast %add3A_1317 : i32 to vector<16xi32>
    %add3A_1319 = arith.addi %iota3A, %add3A_1318 : vector<16xi32>
    %eq3A_1320 = vector.broadcast %squeeze3A_1304 : i32 to vector<16xi32>
    %eq3A_1321 = arith.cmpi eq, %add3A_1319, %eq3A_1320 : vector<16xi32>
    %jit3A_1322 = arith.constant 0.000000e+00 : f32
    %broadcast_in_dim3A_1323 = vector.broadcast %squeeze3A_1306 : f32 to vector<16xf32>
    %broadcast_in_dim3A_1324 = vector.broadcast %jit3A_1322 : f32 to vector<16xf32>
    %select_n3A_1325 = arith.select %eq3A_1321, %broadcast_in_dim3A_1323, %broadcast_in_dim3A_1324 : vector<16xi1>, vector<16xf32>
    %add3A_1326 = arith.addf %add3A_1282, %select_n3A_1325 : vector<16xf32>
    %add3A_1327 = arith.constant 32 : i32
    %add3A_1328 = vector.broadcast %add3A_1327 : i32 to vector<16xi32>
    %add3A_1329 = arith.addi %iota3A, %add3A_1328 : vector<16xi32>
    %eq3A_1330 = vector.broadcast %squeeze3A_1304 : i32 to vector<16xi32>
    %eq3A_1331 = arith.cmpi eq, %add3A_1329, %eq3A_1330 : vector<16xi32>
    %jit3A_1332 = arith.constant 0.000000e+00 : f32
    %broadcast_in_dim3A_1333 = vector.broadcast %squeeze3A_1306 : f32 to vector<16xf32>
    %broadcast_in_dim3A_1334 = vector.broadcast %jit3A_1332 : f32 to vector<16xf32>
    %select_n3A_1335 = arith.select %eq3A_1331, %broadcast_in_dim3A_1333, %broadcast_in_dim3A_1334 : vector<16xi1>, vector<16xf32>
    %add3A_1336 = arith.addf %add3A_1292, %select_n3A_1335 : vector<16xf32>
    %add3A_1337 = arith.constant 48 : i32
    %add3A_1338 = vector.broadcast %add3A_1337 : i32 to vector<16xi32>
    %add3A_1339 = arith.addi %iota3A, %add3A_1338 : vector<16xi32>
    %eq3A_1340 = vector.broadcast %squeeze3A_1304 : i32 to vector<16xi32>
    %eq3A_1341 = arith.cmpi eq, %add3A_1339, %eq3A_1340 : vector<16xi32>
    %jit3A_1342 = arith.constant 0.000000e+00 : f32
    %broadcast_in_dim3A_1343 = vector.broadcast %squeeze3A_1306 : f32 to vector<16xf32>
    %broadcast_in_dim3A_1344 = vector.broadcast %jit3A_1342 : f32 to vector<16xf32>
    %select_n3A_1345 = arith.select %eq3A_1341, %broadcast_in_dim3A_1343, %broadcast_in_dim3A_1344 : vector<16xi1>, vector<16xf32>
    %add3A_1346 = arith.addf %add3A_1302, %select_n3A_1345 : vector<16xf32>
    %slice3A_1347 = vector.extract_strided_slice %get3A_1123 {offsets = [13], sizes = [1], strides = [1]} : vector<16xi32> to vector<1xi32>
    %squeeze3A_1348 = vector.extract %slice3A_1347[0] : i32 from vector<1xi32>
    %slice3A_1349 = vector.extract_strided_slice %get3A_1126 {offsets = [13], sizes = [1], strides = [1]} : vector<16xf32> to vector<1xf32>
    %squeeze3A_1350 = vector.extract %slice3A_1349[0] : f32 from vector<1xf32>
    %add3A_1351 = arith.constant 0 : i32
    %add3A_1352 = vector.broadcast %add3A_1351 : i32 to vector<16xi32>
    %add3A_1353 = arith.addi %iota3A, %add3A_1352 : vector<16xi32>
    %eq3A_1354 = vector.broadcast %squeeze3A_1348 : i32 to vector<16xi32>
    %eq3A_1355 = arith.cmpi eq, %add3A_1353, %eq3A_1354 : vector<16xi32>
    %jit3A_1356 = arith.constant 0.000000e+00 : f32
    %broadcast_in_dim3A_1357 = vector.broadcast %squeeze3A_1350 : f32 to vector<16xf32>
    %broadcast_in_dim3A_1358 = vector.broadcast %jit3A_1356 : f32 to vector<16xf32>
    %select_n3A_1359 = arith.select %eq3A_1355, %broadcast_in_dim3A_1357, %broadcast_in_dim3A_1358 : vector<16xi1>, vector<16xf32>
    %add3A_1360 = arith.addf %add3A_1316, %select_n3A_1359 : vector<16xf32>
    %add3A_1361 = arith.constant 16 : i32
    %add3A_1362 = vector.broadcast %add3A_1361 : i32 to vector<16xi32>
    %add3A_1363 = arith.addi %iota3A, %add3A_1362 : vector<16xi32>
    %eq3A_1364 = vector.broadcast %squeeze3A_1348 : i32 to vector<16xi32>
    %eq3A_1365 = arith.cmpi eq, %add3A_1363, %eq3A_1364 : vector<16xi32>
    %jit3A_1366 = arith.constant 0.000000e+00 : f32
    %broadcast_in_dim3A_1367 = vector.broadcast %squeeze3A_1350 : f32 to vector<16xf32>
    %broadcast_in_dim3A_1368 = vector.broadcast %jit3A_1366 : f32 to vector<16xf32>
    %select_n3A_1369 = arith.select %eq3A_1365, %broadcast_in_dim3A_1367, %broadcast_in_dim3A_1368 : vector<16xi1>, vector<16xf32>
    %add3A_1370 = arith.addf %add3A_1326, %select_n3A_1369 : vector<16xf32>
    %add3A_1371 = arith.constant 32 : i32
    %add3A_1372 = vector.broadcast %add3A_1371 : i32 to vector<16xi32>
    %add3A_1373 = arith.addi %iota3A, %add3A_1372 : vector<16xi32>
    %eq3A_1374 = vector.broadcast %squeeze3A_1348 : i32 to vector<16xi32>
    %eq3A_1375 = arith.cmpi eq, %add3A_1373, %eq3A_1374 : vector<16xi32>
    %jit3A_1376 = arith.constant 0.000000e+00 : f32
    %broadcast_in_dim3A_1377 = vector.broadcast %squeeze3A_1350 : f32 to vector<16xf32>
    %broadcast_in_dim3A_1378 = vector.broadcast %jit3A_1376 : f32 to vector<16xf32>
    %select_n3A_1379 = arith.select %eq3A_1375, %broadcast_in_dim3A_1377, %broadcast_in_dim3A_1378 : vector<16xi1>, vector<16xf32>
    %add3A_1380 = arith.addf %add3A_1336, %select_n3A_1379 : vector<16xf32>
    %add3A_1381 = arith.constant 48 : i32
    %add3A_1382 = vector.broadcast %add3A_1381 : i32 to vector<16xi32>
    %add3A_1383 = arith.addi %iota3A, %add3A_1382 : vector<16xi32>
    %eq3A_1384 = vector.broadcast %squeeze3A_1348 : i32 to vector<16xi32>
    %eq3A_1385 = arith.cmpi eq, %add3A_1383, %eq3A_1384 : vector<16xi32>
    %jit3A_1386 = arith.constant 0.000000e+00 : f32
    %broadcast_in_dim3A_1387 = vector.broadcast %squeeze3A_1350 : f32 to vector<16xf32>
    %broadcast_in_dim3A_1388 = vector.broadcast %jit3A_1386 : f32 to vector<16xf32>
    %select_n3A_1389 = arith.select %eq3A_1385, %broadcast_in_dim3A_1387, %broadcast_in_dim3A_1388 : vector<16xi1>, vector<16xf32>
    %add3A_1390 = arith.addf %add3A_1346, %select_n3A_1389 : vector<16xf32>
    %slice3A_1391 = vector.extract_strided_slice %get3A_1123 {offsets = [14], sizes = [1], strides = [1]} : vector<16xi32> to vector<1xi32>
    %squeeze3A_1392 = vector.extract %slice3A_1391[0] : i32 from vector<1xi32>
    %slice3A_1393 = vector.extract_strided_slice %get3A_1126 {offsets = [14], sizes = [1], strides = [1]} : vector<16xf32> to vector<1xf32>
    %squeeze3A_1394 = vector.extract %slice3A_1393[0] : f32 from vector<1xf32>
    %add3A_1395 = arith.constant 0 : i32
    %add3A_1396 = vector.broadcast %add3A_1395 : i32 to vector<16xi32>
    %add3A_1397 = arith.addi %iota3A, %add3A_1396 : vector<16xi32>
    %eq3A_1398 = vector.broadcast %squeeze3A_1392 : i32 to vector<16xi32>
    %eq3A_1399 = arith.cmpi eq, %add3A_1397, %eq3A_1398 : vector<16xi32>
    %jit3A_1400 = arith.constant 0.000000e+00 : f32
    %broadcast_in_dim3A_1401 = vector.broadcast %squeeze3A_1394 : f32 to vector<16xf32>
    %broadcast_in_dim3A_1402 = vector.broadcast %jit3A_1400 : f32 to vector<16xf32>
    %select_n3A_1403 = arith.select %eq3A_1399, %broadcast_in_dim3A_1401, %broadcast_in_dim3A_1402 : vector<16xi1>, vector<16xf32>
    %add3A_1404 = arith.addf %add3A_1360, %select_n3A_1403 : vector<16xf32>
    %add3A_1405 = arith.constant 16 : i32
    %add3A_1406 = vector.broadcast %add3A_1405 : i32 to vector<16xi32>
    %add3A_1407 = arith.addi %iota3A, %add3A_1406 : vector<16xi32>
    %eq3A_1408 = vector.broadcast %squeeze3A_1392 : i32 to vector<16xi32>
    %eq3A_1409 = arith.cmpi eq, %add3A_1407, %eq3A_1408 : vector<16xi32>
    %jit3A_1410 = arith.constant 0.000000e+00 : f32
    %broadcast_in_dim3A_1411 = vector.broadcast %squeeze3A_1394 : f32 to vector<16xf32>
    %broadcast_in_dim3A_1412 = vector.broadcast %jit3A_1410 : f32 to vector<16xf32>
    %select_n3A_1413 = arith.select %eq3A_1409, %broadcast_in_dim3A_1411, %broadcast_in_dim3A_1412 : vector<16xi1>, vector<16xf32>
    %add3A_1414 = arith.addf %add3A_1370, %select_n3A_1413 : vector<16xf32>
    %add3A_1415 = arith.constant 32 : i32
    %add3A_1416 = vector.broadcast %add3A_1415 : i32 to vector<16xi32>
    %add3A_1417 = arith.addi %iota3A, %add3A_1416 : vector<16xi32>
    %eq3A_1418 = vector.broadcast %squeeze3A_1392 : i32 to vector<16xi32>
    %eq3A_1419 = arith.cmpi eq, %add3A_1417, %eq3A_1418 : vector<16xi32>
    %jit3A_1420 = arith.constant 0.000000e+00 : f32
    %broadcast_in_dim3A_1421 = vector.broadcast %squeeze3A_1394 : f32 to vector<16xf32>
    %broadcast_in_dim3A_1422 = vector.broadcast %jit3A_1420 : f32 to vector<16xf32>
    %select_n3A_1423 = arith.select %eq3A_1419, %broadcast_in_dim3A_1421, %broadcast_in_dim3A_1422 : vector<16xi1>, vector<16xf32>
    %add3A_1424 = arith.addf %add3A_1380, %select_n3A_1423 : vector<16xf32>
    %add3A_1425 = arith.constant 48 : i32
    %add3A_1426 = vector.broadcast %add3A_1425 : i32 to vector<16xi32>
    %add3A_1427 = arith.addi %iota3A, %add3A_1426 : vector<16xi32>
    %eq3A_1428 = vector.broadcast %squeeze3A_1392 : i32 to vector<16xi32>
    %eq3A_1429 = arith.cmpi eq, %add3A_1427, %eq3A_1428 : vector<16xi32>
    %jit3A_1430 = arith.constant 0.000000e+00 : f32
    %broadcast_in_dim3A_1431 = vector.broadcast %squeeze3A_1394 : f32 to vector<16xf32>
    %broadcast_in_dim3A_1432 = vector.broadcast %jit3A_1430 : f32 to vector<16xf32>
    %select_n3A_1433 = arith.select %eq3A_1429, %broadcast_in_dim3A_1431, %broadcast_in_dim3A_1432 : vector<16xi1>, vector<16xf32>
    %add3A_1434 = arith.addf %add3A_1390, %select_n3A_1433 : vector<16xf32>
    %slice3A_1435 = vector.extract_strided_slice %get3A_1123 {offsets = [15], sizes = [1], strides = [1]} : vector<16xi32> to vector<1xi32>
    %squeeze3A_1436 = vector.extract %slice3A_1435[0] : i32 from vector<1xi32>
    %slice3A_1437 = vector.extract_strided_slice %get3A_1126 {offsets = [15], sizes = [1], strides = [1]} : vector<16xf32> to vector<1xf32>
    %squeeze3A_1438 = vector.extract %slice3A_1437[0] : f32 from vector<1xf32>
    %add3A_1439 = arith.constant 0 : i32
    %add3A_1440 = vector.broadcast %add3A_1439 : i32 to vector<16xi32>
    %add3A_1441 = arith.addi %iota3A, %add3A_1440 : vector<16xi32>
    %eq3A_1442 = vector.broadcast %squeeze3A_1436 : i32 to vector<16xi32>
    %eq3A_1443 = arith.cmpi eq, %add3A_1441, %eq3A_1442 : vector<16xi32>
    %jit3A_1444 = arith.constant 0.000000e+00 : f32
    %broadcast_in_dim3A_1445 = vector.broadcast %squeeze3A_1438 : f32 to vector<16xf32>
    %broadcast_in_dim3A_1446 = vector.broadcast %jit3A_1444 : f32 to vector<16xf32>
    %select_n3A_1447 = arith.select %eq3A_1443, %broadcast_in_dim3A_1445, %broadcast_in_dim3A_1446 : vector<16xi1>, vector<16xf32>
    %add3A_1448 = arith.addf %add3A_1404, %select_n3A_1447 : vector<16xf32>
    %add3A_1449 = arith.constant 16 : i32
    %add3A_1450 = vector.broadcast %add3A_1449 : i32 to vector<16xi32>
    %add3A_1451 = arith.addi %iota3A, %add3A_1450 : vector<16xi32>
    %eq3A_1452 = vector.broadcast %squeeze3A_1436 : i32 to vector<16xi32>
    %eq3A_1453 = arith.cmpi eq, %add3A_1451, %eq3A_1452 : vector<16xi32>
    %jit3A_1454 = arith.constant 0.000000e+00 : f32
    %broadcast_in_dim3A_1455 = vector.broadcast %squeeze3A_1438 : f32 to vector<16xf32>
    %broadcast_in_dim3A_1456 = vector.broadcast %jit3A_1454 : f32 to vector<16xf32>
    %select_n3A_1457 = arith.select %eq3A_1453, %broadcast_in_dim3A_1455, %broadcast_in_dim3A_1456 : vector<16xi1>, vector<16xf32>
    %add3A_1458 = arith.addf %add3A_1414, %select_n3A_1457 : vector<16xf32>
    %add3A_1459 = arith.constant 32 : i32
    %add3A_1460 = vector.broadcast %add3A_1459 : i32 to vector<16xi32>
    %add3A_1461 = arith.addi %iota3A, %add3A_1460 : vector<16xi32>
    %eq3A_1462 = vector.broadcast %squeeze3A_1436 : i32 to vector<16xi32>
    %eq3A_1463 = arith.cmpi eq, %add3A_1461, %eq3A_1462 : vector<16xi32>
    %jit3A_1464 = arith.constant 0.000000e+00 : f32
    %broadcast_in_dim3A_1465 = vector.broadcast %squeeze3A_1438 : f32 to vector<16xf32>
    %broadcast_in_dim3A_1466 = vector.broadcast %jit3A_1464 : f32 to vector<16xf32>
    %select_n3A_1467 = arith.select %eq3A_1463, %broadcast_in_dim3A_1465, %broadcast_in_dim3A_1466 : vector<16xi1>, vector<16xf32>
    %add3A_1468 = arith.addf %add3A_1424, %select_n3A_1467 : vector<16xf32>
    %add3A_1469 = arith.constant 48 : i32
    %add3A_1470 = vector.broadcast %add3A_1469 : i32 to vector<16xi32>
    %add3A_1471 = arith.addi %iota3A, %add3A_1470 : vector<16xi32>
    %eq3A_1472 = vector.broadcast %squeeze3A_1436 : i32 to vector<16xi32>
    %eq3A_1473 = arith.cmpi eq, %add3A_1471, %eq3A_1472 : vector<16xi32>
    %jit3A_1474 = arith.constant 0.000000e+00 : f32
    %broadcast_in_dim3A_1475 = vector.broadcast %squeeze3A_1438 : f32 to vector<16xf32>
    %broadcast_in_dim3A_1476 = vector.broadcast %jit3A_1474 : f32 to vector<16xf32>
    %select_n3A_1477 = arith.select %eq3A_1473, %broadcast_in_dim3A_1475, %broadcast_in_dim3A_1476 : vector<16xi1>, vector<16xf32>
    %add3A_1478 = arith.addf %add3A_1434, %select_n3A_1477 : vector<16xf32>
    %swap3A_1479 = arith.constant 192 : index
    %swap3A_1480 = tpu.vector_load %arg7[%swap3A_1479] {strides = array<i32>} : memref<256xf32, #tpu.memory_space<vmem>>, vector<16xf32>,
    %swap3A_1481 = vector.shape_cast %swap3A_1480 : vector<16xf32> to vector<16xf32>
    %swap3A_1482 = vector.shape_cast %add3A_1448 : vector<16xf32> to vector<16xf32>
    tpu.vector_store %arg7[%swap3A_1479], %swap3A_1482 {strides = array<i32>} : memref<256xf32, #tpu.memory_space<vmem>>, vector<16xf32>,
    %swap3A_1483 = arith.constant 208 : index
    %swap3A_1484 = tpu.vector_load %arg7[%swap3A_1483] {strides = array<i32>} : memref<256xf32, #tpu.memory_space<vmem>>, vector<16xf32>,
    %swap3A_1485 = vector.shape_cast %swap3A_1484 : vector<16xf32> to vector<16xf32>
    %swap3A_1486 = vector.shape_cast %add3A_1458 : vector<16xf32> to vector<16xf32>
    tpu.vector_store %arg7[%swap3A_1483], %swap3A_1486 {strides = array<i32>} : memref<256xf32, #tpu.memory_space<vmem>>, vector<16xf32>,
    %swap3A_1487 = arith.constant 224 : index
    %swap3A_1488 = tpu.vector_load %arg7[%swap3A_1487] {strides = array<i32>} : memref<256xf32, #tpu.memory_space<vmem>>, vector<16xf32>,
    %swap3A_1489 = vector.shape_cast %swap3A_1488 : vector<16xf32> to vector<16xf32>
    %swap3A_1490 = vector.shape_cast %add3A_1468 : vector<16xf32> to vector<16xf32>
    tpu.vector_store %arg7[%swap3A_1487], %swap3A_1490 {strides = array<i32>} : memref<256xf32, #tpu.memory_space<vmem>>, vector<16xf32>,
    %swap3A_1491 = arith.constant 240 : index
    %swap3A_1492 = tpu.vector_load %arg7[%swap3A_1491] {strides = array<i32>} : memref<256xf32, #tpu.memory_space<vmem>>, vector<16xf32>,
    %swap3A_1493 = vector.shape_cast %swap3A_1492 : vector<16xf32> to vector<16xf32>
    %swap3A_1494 = vector.shape_cast %add3A_1478 : vector<16xf32> to vector<16xf32>
    tpu.vector_store %arg7[%swap3A_1491], %swap3A_1494 {strides = array<i32>} : memref<256xf32, #tpu.memory_space<vmem>>, vector<16xf32>,
    %mul3A_1495 = arith.constant 64 : i32
    %mul3A_1496 = arith.muli %mul3A_2, %mul3A_1495 : i32
    "tpu.region"() ({
      %run_scoped3A = tpu.sem_alloc : memref<!tpu.dma_semaphore, #tpu.memory_space<semaphore_mem>>
      %dma_start3A = tpu.memref_slice %arg4[%mul3A_1496] : memref<8192xf32, #tpu.memory_space<hbm>> -> memref<256xf32, #tpu.memory_space<hbm>>
      %dma_start3A_1497 = tpu.memref_slice %arg4[%mul3A_1496] : memref<8192xf32, #tpu.memory_space<hbm>> -> memref<256xf32, #tpu.memory_space<hbm>>
      tpu.enqueue_dma source(%arg7 : memref<256xf32, #tpu.memory_space<vmem>>) target(%dma_start3A_1497 : memref<256xf32, #tpu.memory_space<hbm>>) target_semaphore(%run_scoped3A : memref<!tpu.dma_semaphore, #tpu.memory_space<semaphore_mem>>)
      %dma_wait3A = tpu.memref_slice %arg4[%mul3A_1496] : memref<8192xf32, #tpu.memory_space<hbm>> -> memref<256xf32, #tpu.memory_space<hbm>>
      %dma_wait3A_1498 = tpu.memref_slice %arg4[%mul3A_1496] : memref<8192xf32, #tpu.memory_space<hbm>> -> memref<256xf32, #tpu.memory_space<hbm>>
      tpu.wait_dma2 semaphore(%run_scoped3A : memref<!tpu.dma_semaphore, #tpu.memory_space<semaphore_mem>>) src(%arg7 : memref<256xf32, #tpu.memory_space<vmem>>) dst(%dma_wait3A_1498 : memref<256xf32, #tpu.memory_space<hbm>>)
      tpu.yield
    }) : () -> ()
    return
  }
}

module attributes {stable_mosaic.version = 14 : i64} {
  func.func @_moe_body_inline(%arg0: i32, %arg1: memref<128x8xi32, #tpu.memory_space<vmem>>, %arg2: memref<128x8xf32, #tpu.memory_space<vmem>>, %arg3: memref<128x1024xf32, #tpu.memory_space<vmem>>, %arg4: memref<2x512x1024xf32, #tpu.memory_space<vmem>>, %arg5: memref<2x512x1024xf32, #tpu.memory_space<vmem>>, %arg6: memref<2x1024x512xf32, #tpu.memory_space<vmem>>, %arg7: memref<128x1024xf32, #tpu.memory_space<vmem>>) attributes {dimension_semantics = [#tpu.dimension_semantics<arbitrary>], iteration_bounds = array<i64: 16>, scalar_prefetch = 0 : i64, scratch_operands = 0 : i64, tpu.core_type = #tpu.core_type<tc>, window_params = [{pipeline_mode = #tpu.pipeline_mode<synchronous>, transform_indices = @transform_0, window_bounds = array<i64: 128, 8>}, {pipeline_mode = #tpu.pipeline_mode<synchronous>, transform_indices = @transform_1, window_bounds = array<i64: 128, 8>}, {pipeline_mode = #tpu.pipeline_mode<synchronous>, transform_indices = @transform_2, window_bounds = array<i64: 128, 1024>}, {transform_indices = @transform_3, window_bounds = array<i64: 2, 512, 1024>}, {transform_indices = @transform_4, window_bounds = array<i64: 2, 512, 1024>}, {transform_indices = @transform_5, window_bounds = array<i64: 2, 1024, 512>}, {pipeline_mode = #tpu.pipeline_mode<synchronous>, transform_indices = @transform_6, window_bounds = array<i64: 128, 1024>}]} {
    %get3A = arith.constant 0 : index
    %get3A_0 = arith.constant 0 : index
    %get3A_1 = vector.load %arg3[%get3A, %get3A_0] : memref<128x1024xf32, #tpu.memory_space<vmem>>, vector<128x1024xf32>
    %get3A_2 = arith.constant 0 : index
    %get3A_3 = arith.constant 0 : index
    %get3A_4 = vector.load %arg1[%get3A_2, %get3A_3] : memref<128x8xi32, #tpu.memory_space<vmem>>, vector<128x8xi32>
    %get3A_5 = arith.constant 0 : index
    %get3A_6 = arith.constant 0 : index
    %get3A_7 = vector.load %arg2[%get3A_5, %get3A_6] : memref<128x8xf32, #tpu.memory_space<vmem>>, vector<128x8xf32>
    %broadcast_in_dim3A = arith.constant 0.000000e+00 : f32
    %broadcast_in_dim3A_8 = vector.broadcast %broadcast_in_dim3A : f32 to vector<128x1024xf32>
    %mul3A = arith.constant 2 : i32
    %mul3A_9 = arith.muli %arg0, %mul3A : i32
    %add3A = arith.constant 0 : i32
    %add3A_10 = arith.addi %mul3A_9, %add3A : i32
    %get3A_11 = arith.constant 0 : index
    %get3A_12 = arith.constant 0 : index
    %get3A_13 = arith.constant 0 : index
    %get3A_14 = vector.load %arg4[%get3A_11, %get3A_12, %get3A_13] : memref<2x512x1024xf32, #tpu.memory_space<vmem>>, vector<1x512x1024xf32>
    %get3A_15 = vector.shape_cast %get3A_14 : vector<1x512x1024xf32> to vector<512x1024xf32>
    %get3A_16 = arith.constant 0 : index
    %get3A_17 = arith.constant 0 : index
    %get3A_18 = arith.constant 0 : index
    %get3A_19 = vector.load %arg5[%get3A_16, %get3A_17, %get3A_18] : memref<2x512x1024xf32, #tpu.memory_space<vmem>>, vector<1x512x1024xf32>
    %get3A_20 = vector.shape_cast %get3A_19 : vector<1x512x1024xf32> to vector<512x1024xf32>
    %get3A_21 = arith.constant 0 : index
    %get3A_22 = arith.constant 0 : index
    %get3A_23 = arith.constant 0 : index
    %get3A_24 = vector.load %arg6[%get3A_21, %get3A_22, %get3A_23] : memref<2x1024x512xf32, #tpu.memory_space<vmem>>, vector<1x1024x512xf32>
    %get3A_25 = vector.shape_cast %get3A_24 : vector<1x1024x512xf32> to vector<1024x512xf32>
    %dot_general3A = arith.constant dense<0.000000e+00> : vector<128x512xf32>
    %dot_general3A_26 = tpu.matmul %get3A_1, %get3A_15, %dot_general3A {dimension_numbers = #tpu.dot_dimension_numbers<[1], [1], [0], [0], [0, 0, 1, 0], [], []>, transpose_lhs_hint = false} : vector<128x1024xf32>, vector<512x1024xf32>, vector<128x512xf32> -> vector<128x512xf32>
    %dot_general3A_27 = arith.constant dense<0.000000e+00> : vector<128x512xf32>
    %dot_general3A_28 = tpu.matmul %get3A_1, %get3A_20, %dot_general3A_27 {dimension_numbers = #tpu.dot_dimension_numbers<[1], [1], [0], [0], [0, 0, 1, 0], [], []>, transpose_lhs_hint = false} : vector<128x1024xf32>, vector<512x1024xf32>, vector<128x512xf32> -> vector<128x512xf32>
    %integer_pow3A = arith.mulf %dot_general3A_26, %dot_general3A_26 : vector<128x512xf32>
    %integer_pow3A_29 = arith.mulf %dot_general3A_26, %integer_pow3A : vector<128x512xf32>
    %mul3A_30 = arith.constant 4.471500e-02 : f32
    %mul3A_31 = vector.broadcast %mul3A_30 : f32 to vector<128x512xf32>
    %mul3A_32 = arith.mulf %mul3A_31, %integer_pow3A_29 : vector<128x512xf32>
    %add3A_33 = arith.addf %dot_general3A_26, %mul3A_32 : vector<128x512xf32>
    %mul3A_34 = arith.constant 0.797884583 : f32
    %mul3A_35 = vector.broadcast %mul3A_34 : f32 to vector<128x512xf32>
    %mul3A_36 = arith.mulf %mul3A_35, %add3A_33 : vector<128x512xf32>
    %tanh3A = math.tanh %mul3A_36 : vector<128x512xf32>
    %add3A_37 = arith.constant 1.000000e+00 : f32
    %add3A_38 = vector.broadcast %add3A_37 : f32 to vector<128x512xf32>
    %add3A_39 = arith.addf %add3A_38, %tanh3A : vector<128x512xf32>
    %mul3A_40 = arith.constant 5.000000e-01 : f32
    %mul3A_41 = vector.broadcast %mul3A_40 : f32 to vector<128x512xf32>
    %mul3A_42 = arith.mulf %mul3A_41, %add3A_39 : vector<128x512xf32>
    %mul3A_43 = arith.mulf %dot_general3A_26, %mul3A_42 : vector<128x512xf32>
    %mul3A_44 = arith.mulf %mul3A_43, %dot_general3A_28 : vector<128x512xf32>
    %dot_general3A_45 = arith.constant dense<0.000000e+00> : vector<128x1024xf32>
    %dot_general3A_46 = tpu.matmul %mul3A_44, %get3A_25, %dot_general3A_45 {dimension_numbers = #tpu.dot_dimension_numbers<[1], [1], [0], [0], [0, 0, 1, 0], [], []>, transpose_lhs_hint = false} : vector<128x512xf32>, vector<1024x512xf32>, vector<128x1024xf32> -> vector<128x1024xf32>
    %eq3A = vector.broadcast %add3A_10 : i32 to vector<128x8xi32>
    %eq3A_47 = arith.cmpi eq, %get3A_4, %eq3A : vector<128x8xi32>
    %jit3A = arith.constant 0.000000e+00 : f32
    %broadcast_in_dim3A_48 = vector.broadcast %jit3A : f32 to vector<128x8xf32>
    %select_n3A = arith.select %eq3A_47, %get3A_7, %broadcast_in_dim3A_48 : vector<128x8xi1>, vector<128x8xf32>
    %reduce_sum3A = arith.constant dense<0.000000e+00> : vector<128xf32>
    %reduce_sum3A_49 = vector.multi_reduction <add>, %select_n3A, %reduce_sum3A [1] : vector<128x8xf32> to vector<128xf32>
    %broadcast_in_dim3A_50 = vector.shape_cast %reduce_sum3A_49 : vector<128xf32> to vector<128x1xf32>
    %mul3A_51 = vector.broadcast %broadcast_in_dim3A_50 : vector<128x1xf32> to vector<128x1024xf32>
    %mul3A_52 = arith.mulf %mul3A_51, %dot_general3A_46 : vector<128x1024xf32>
    %add3A_53 = arith.addf %broadcast_in_dim3A_8, %mul3A_52 : vector<128x1024xf32>
    %mul3A_54 = arith.constant 2 : i32
    %mul3A_55 = arith.muli %arg0, %mul3A_54 : i32
    %add3A_56 = arith.constant 1 : i32
    %add3A_57 = arith.addi %mul3A_55, %add3A_56 : i32
    %get3A_58 = arith.constant 1 : index
    %get3A_59 = arith.constant 0 : index
    %get3A_60 = arith.constant 0 : index
    %get3A_61 = vector.load %arg4[%get3A_58, %get3A_59, %get3A_60] : memref<2x512x1024xf32, #tpu.memory_space<vmem>>, vector<1x512x1024xf32>
    %get3A_62 = vector.shape_cast %get3A_61 : vector<1x512x1024xf32> to vector<512x1024xf32>
    %get3A_63 = arith.constant 1 : index
    %get3A_64 = arith.constant 0 : index
    %get3A_65 = arith.constant 0 : index
    %get3A_66 = vector.load %arg5[%get3A_63, %get3A_64, %get3A_65] : memref<2x512x1024xf32, #tpu.memory_space<vmem>>, vector<1x512x1024xf32>
    %get3A_67 = vector.shape_cast %get3A_66 : vector<1x512x1024xf32> to vector<512x1024xf32>
    %get3A_68 = arith.constant 1 : index
    %get3A_69 = arith.constant 0 : index
    %get3A_70 = arith.constant 0 : index
    %get3A_71 = vector.load %arg6[%get3A_68, %get3A_69, %get3A_70] : memref<2x1024x512xf32, #tpu.memory_space<vmem>>, vector<1x1024x512xf32>
    %get3A_72 = vector.shape_cast %get3A_71 : vector<1x1024x512xf32> to vector<1024x512xf32>
    %dot_general3A_73 = arith.constant dense<0.000000e+00> : vector<128x512xf32>
    %dot_general3A_74 = tpu.matmul %get3A_1, %get3A_62, %dot_general3A_73 {dimension_numbers = #tpu.dot_dimension_numbers<[1], [1], [0], [0], [0, 0, 1, 0], [], []>, transpose_lhs_hint = false} : vector<128x1024xf32>, vector<512x1024xf32>, vector<128x512xf32> -> vector<128x512xf32>
    %dot_general3A_75 = arith.constant dense<0.000000e+00> : vector<128x512xf32>
    %dot_general3A_76 = tpu.matmul %get3A_1, %get3A_67, %dot_general3A_75 {dimension_numbers = #tpu.dot_dimension_numbers<[1], [1], [0], [0], [0, 0, 1, 0], [], []>, transpose_lhs_hint = false} : vector<128x1024xf32>, vector<512x1024xf32>, vector<128x512xf32> -> vector<128x512xf32>
    %integer_pow3A_77 = arith.mulf %dot_general3A_74, %dot_general3A_74 : vector<128x512xf32>
    %integer_pow3A_78 = arith.mulf %dot_general3A_74, %integer_pow3A_77 : vector<128x512xf32>
    %mul3A_79 = arith.constant 4.471500e-02 : f32
    %mul3A_80 = vector.broadcast %mul3A_79 : f32 to vector<128x512xf32>
    %mul3A_81 = arith.mulf %mul3A_80, %integer_pow3A_78 : vector<128x512xf32>
    %add3A_82 = arith.addf %dot_general3A_74, %mul3A_81 : vector<128x512xf32>
    %mul3A_83 = arith.constant 0.797884583 : f32
    %mul3A_84 = vector.broadcast %mul3A_83 : f32 to vector<128x512xf32>
    %mul3A_85 = arith.mulf %mul3A_84, %add3A_82 : vector<128x512xf32>
    %tanh3A_86 = math.tanh %mul3A_85 : vector<128x512xf32>
    %add3A_87 = arith.constant 1.000000e+00 : f32
    %add3A_88 = vector.broadcast %add3A_87 : f32 to vector<128x512xf32>
    %add3A_89 = arith.addf %add3A_88, %tanh3A_86 : vector<128x512xf32>
    %mul3A_90 = arith.constant 5.000000e-01 : f32
    %mul3A_91 = vector.broadcast %mul3A_90 : f32 to vector<128x512xf32>
    %mul3A_92 = arith.mulf %mul3A_91, %add3A_89 : vector<128x512xf32>
    %mul3A_93 = arith.mulf %dot_general3A_74, %mul3A_92 : vector<128x512xf32>
    %mul3A_94 = arith.mulf %mul3A_93, %dot_general3A_76 : vector<128x512xf32>
    %dot_general3A_95 = arith.constant dense<0.000000e+00> : vector<128x1024xf32>
    %dot_general3A_96 = tpu.matmul %mul3A_94, %get3A_72, %dot_general3A_95 {dimension_numbers = #tpu.dot_dimension_numbers<[1], [1], [0], [0], [0, 0, 1, 0], [], []>, transpose_lhs_hint = false} : vector<128x512xf32>, vector<1024x512xf32>, vector<128x1024xf32> -> vector<128x1024xf32>
    %eq3A_97 = vector.broadcast %add3A_57 : i32 to vector<128x8xi32>
    %eq3A_98 = arith.cmpi eq, %get3A_4, %eq3A_97 : vector<128x8xi32>
    %jit3A_99 = arith.constant 0.000000e+00 : f32
    %broadcast_in_dim3A_100 = vector.broadcast %jit3A_99 : f32 to vector<128x8xf32>
    %select_n3A_101 = arith.select %eq3A_98, %get3A_7, %broadcast_in_dim3A_100 : vector<128x8xi1>, vector<128x8xf32>
    %reduce_sum3A_102 = arith.constant dense<0.000000e+00> : vector<128xf32>
    %reduce_sum3A_103 = vector.multi_reduction <add>, %select_n3A_101, %reduce_sum3A_102 [1] : vector<128x8xf32> to vector<128xf32>
    %broadcast_in_dim3A_104 = vector.shape_cast %reduce_sum3A_103 : vector<128xf32> to vector<128x1xf32>
    %mul3A_105 = vector.broadcast %broadcast_in_dim3A_104 : vector<128x1xf32> to vector<128x1024xf32>
    %mul3A_106 = arith.mulf %mul3A_105, %dot_general3A_96 : vector<128x1024xf32>
    %add3A_107 = arith.addf %add3A_53, %mul3A_106 : vector<128x1024xf32>
    %eq3A_108 = arith.constant 0 : i32
    %eq3A_109 = arith.cmpi eq, %arg0, %eq3A_108 : i32
    %convert_element_type3A = arith.extui %eq3A_109 : i1 to i32
    %cond3A = arith.constant 0 : i32
    %cond3A_110 = arith.cmpi ne, %convert_element_type3A, %cond3A : i32
    scf.if %cond3A_110 {
      %swap3A = arith.constant 0 : index
      %swap3A_115 = arith.constant 0 : index
      %swap3A_116 = vector.load %arg7[%swap3A, %swap3A_115] : memref<128x1024xf32, #tpu.memory_space<vmem>>, vector<128x1024xf32>
      tpu.vector_store %arg7[%swap3A, %swap3A_115], %add3A_107 {strides = array<i32>} : memref<128x1024xf32, #tpu.memory_space<vmem>>, vector<128x1024xf32>,
    } else {
    }
    %ne3A = arith.constant 0 : i32
    %ne3A_111 = arith.cmpi ne, %arg0, %ne3A : i32
    %convert_element_type3A_112 = arith.extui %ne3A_111 : i1 to i32
    %cond3A_113 = arith.constant 0 : i32
    %cond3A_114 = arith.cmpi ne, %convert_element_type3A_112, %cond3A_113 : i32
    scf.if %cond3A_114 {
      %get3A_115 = arith.constant 0 : index
      %get3A_116 = arith.constant 0 : index
      %get3A_117 = vector.load %arg7[%get3A_115, %get3A_116] : memref<128x1024xf32, #tpu.memory_space<vmem>>, vector<128x1024xf32>
      %add3A_118 = arith.addf %get3A_117, %add3A_107 : vector<128x1024xf32>
      %swap3A = arith.constant 0 : index
      %swap3A_119 = arith.constant 0 : index
      %swap3A_120 = vector.load %arg7[%swap3A, %swap3A_119] : memref<128x1024xf32, #tpu.memory_space<vmem>>, vector<128x1024xf32>
      tpu.vector_store %arg7[%swap3A, %swap3A_119], %add3A_118 {strides = array<i32>} : memref<128x1024xf32, #tpu.memory_space<vmem>>, vector<128x1024xf32>,
    } else {
    }
    return
  }
  func.func @transform_0(%arg0: i32) -> (i32, i32) {
    %c0_i32 = arith.constant 0 : i32
    %c0_i32_0 = arith.constant 0 : i32
    %c0_i32_1 = arith.constant 0 : i32
    return %c0_i32, %c0_i32_0 : i32, i32
  }
  func.func @transform_1(%arg0: i32) -> (i32, i32) {
    %c0_i32 = arith.constant 0 : i32
    %c0_i32_0 = arith.constant 0 : i32
    %c0_i32_1 = arith.constant 0 : i32
    return %c0_i32, %c0_i32_0 : i32, i32
  }
  func.func @transform_2(%arg0: i32) -> (i32, i32) {
    %c0_i32 = arith.constant 0 : i32
    %c0_i32_0 = arith.constant 0 : i32
    %c0_i32_1 = arith.constant 0 : i32
    return %c0_i32, %c0_i32_0 : i32, i32
  }
  func.func @transform_3(%arg0: i32) -> (i32, i32, i32) {
    %c0_i32 = arith.constant 0 : i32
    %c0_i32_0 = arith.constant 0 : i32
    %c0_i32_1 = arith.constant 0 : i32
    return %arg0, %c0_i32, %c0_i32_0 : i32, i32, i32
  }
  func.func @transform_4(%arg0: i32) -> (i32, i32, i32) {
    %c0_i32 = arith.constant 0 : i32
    %c0_i32_0 = arith.constant 0 : i32
    %c0_i32_1 = arith.constant 0 : i32
    return %arg0, %c0_i32, %c0_i32_0 : i32, i32, i32
  }
  func.func @transform_5(%arg0: i32) -> (i32, i32, i32) {
    %c0_i32 = arith.constant 0 : i32
    %c0_i32_0 = arith.constant 0 : i32
    %c0_i32_1 = arith.constant 0 : i32
    return %arg0, %c0_i32, %c0_i32_0 : i32, i32, i32
  }
  func.func @transform_6(%arg0: i32) -> (i32, i32) {
    %c0_i32 = arith.constant 0 : i32
    %c0_i32_0 = arith.constant 0 : i32
    %c0_i32_1 = arith.constant 0 : i32
    return %c0_i32, %c0_i32_0 : i32, i32
  }
}

module attributes {stable_mosaic.version = 14 : i64} {
  func.func @_moe_body_sc(%arg0: i32, %arg1: memref<128x64xf32, #tpu.memory_space<vmem>>, %arg2: memref<128x1024xf32, #tpu.memory_space<vmem>>, %arg3: memref<2x512x1024xf32, #tpu.memory_space<vmem>>, %arg4: memref<2x512x1024xf32, #tpu.memory_space<vmem>>, %arg5: memref<2x1024x512xf32, #tpu.memory_space<vmem>>, %arg6: memref<128x1024xf32, #tpu.memory_space<vmem>>) attributes {dimension_semantics = [#tpu.dimension_semantics<arbitrary>], iteration_bounds = array<i64: 16>, scalar_prefetch = 0 : i64, scratch_operands = 0 : i64, tpu.core_type = #tpu.core_type<tc>, window_params = [{pipeline_mode = #tpu.pipeline_mode<synchronous>, transform_indices = @transform_0, window_bounds = array<i64: 128, 64>}, {pipeline_mode = #tpu.pipeline_mode<synchronous>, transform_indices = @transform_1, window_bounds = array<i64: 128, 1024>}, {transform_indices = @transform_2, window_bounds = array<i64: 2, 512, 1024>}, {transform_indices = @transform_3, window_bounds = array<i64: 2, 512, 1024>}, {transform_indices = @transform_4, window_bounds = array<i64: 2, 1024, 512>}, {pipeline_mode = #tpu.pipeline_mode<synchronous>, transform_indices = @transform_5, window_bounds = array<i64: 128, 1024>}]} {
    %get3A = arith.constant 0 : index
    %get3A_0 = arith.constant 0 : index
    %get3A_1 = vector.load %arg2[%get3A, %get3A_0] : memref<128x1024xf32, #tpu.memory_space<vmem>>, vector<128x1024xf32>
    %broadcast_in_dim3A = arith.constant 0.000000e+00 : f32
    %broadcast_in_dim3A_2 = vector.broadcast %broadcast_in_dim3A : f32 to vector<128x1024xf32>
    %iota3A = tpu.iota {dimensions = array<i32: 1>} : vector<128x64xi32>
    %mul3A = arith.constant 2 : i32
    %mul3A_3 = arith.muli %arg0, %mul3A : i32
    %add3A = arith.constant 32 : i32
    %add3A_4 = arith.addi %add3A, %mul3A_3 : i32
    %add3A_5 = arith.constant 0 : i32
    %add3A_6 = arith.addi %add3A_4, %add3A_5 : i32
    %eq3A = vector.broadcast %add3A_6 : i32 to vector<128x64xi32>
    %eq3A_7 = arith.cmpi eq, %iota3A, %eq3A : vector<128x64xi32>
    %get3A_8 = arith.constant 0 : index
    %get3A_9 = arith.constant 0 : index
    %get3A_10 = vector.load %arg1[%get3A_8, %get3A_9] : memref<128x64xf32, #tpu.memory_space<vmem>>, vector<128x64xf32>
    %jit3A = arith.constant 0.000000e+00 : f32
    %broadcast_in_dim3A_11 = vector.broadcast %jit3A : f32 to vector<128x64xf32>
    %select_n3A = arith.select %eq3A_7, %get3A_10, %broadcast_in_dim3A_11 : vector<128x64xi1>, vector<128x64xf32>
    %reduce_sum3A = arith.constant dense<0.000000e+00> : vector<128xf32>
    %reduce_sum3A_12 = vector.multi_reduction <add>, %select_n3A, %reduce_sum3A [1] : vector<128x64xf32> to vector<128xf32>
    %broadcast_in_dim3A_13 = vector.shape_cast %reduce_sum3A_12 : vector<128xf32> to vector<128x1xf32>
    %get3A_14 = arith.constant 0 : index
    %get3A_15 = arith.constant 0 : index
    %get3A_16 = arith.constant 0 : index
    %get3A_17 = vector.load %arg3[%get3A_14, %get3A_15, %get3A_16] : memref<2x512x1024xf32, #tpu.memory_space<vmem>>, vector<1x512x1024xf32>
    %get3A_18 = vector.shape_cast %get3A_17 : vector<1x512x1024xf32> to vector<512x1024xf32>
    %get3A_19 = arith.constant 0 : index
    %get3A_20 = arith.constant 0 : index
    %get3A_21 = arith.constant 0 : index
    %get3A_22 = vector.load %arg4[%get3A_19, %get3A_20, %get3A_21] : memref<2x512x1024xf32, #tpu.memory_space<vmem>>, vector<1x512x1024xf32>
    %get3A_23 = vector.shape_cast %get3A_22 : vector<1x512x1024xf32> to vector<512x1024xf32>
    %get3A_24 = arith.constant 0 : index
    %get3A_25 = arith.constant 0 : index
    %get3A_26 = arith.constant 0 : index
    %get3A_27 = vector.load %arg5[%get3A_24, %get3A_25, %get3A_26] : memref<2x1024x512xf32, #tpu.memory_space<vmem>>, vector<1x1024x512xf32>
    %get3A_28 = vector.shape_cast %get3A_27 : vector<1x1024x512xf32> to vector<1024x512xf32>
    %dot_general3A = arith.constant dense<0.000000e+00> : vector<128x512xf32>
    %dot_general3A_29 = tpu.matmul %get3A_1, %get3A_18, %dot_general3A {dimension_numbers = #tpu.dot_dimension_numbers<[1], [1], [0], [0], [0, 0, 1, 0], [], []>, transpose_lhs_hint = false} : vector<128x1024xf32>, vector<512x1024xf32>, vector<128x512xf32> -> vector<128x512xf32>
    %dot_general3A_30 = arith.constant dense<0.000000e+00> : vector<128x512xf32>
    %dot_general3A_31 = tpu.matmul %get3A_1, %get3A_23, %dot_general3A_30 {dimension_numbers = #tpu.dot_dimension_numbers<[1], [1], [0], [0], [0, 0, 1, 0], [], []>, transpose_lhs_hint = false} : vector<128x1024xf32>, vector<512x1024xf32>, vector<128x512xf32> -> vector<128x512xf32>
    %integer_pow3A = arith.mulf %dot_general3A_29, %dot_general3A_29 : vector<128x512xf32>
    %integer_pow3A_32 = arith.mulf %dot_general3A_29, %integer_pow3A : vector<128x512xf32>
    %mul3A_33 = arith.constant 4.471500e-02 : f32
    %mul3A_34 = vector.broadcast %mul3A_33 : f32 to vector<128x512xf32>
    %mul3A_35 = arith.mulf %mul3A_34, %integer_pow3A_32 : vector<128x512xf32>
    %add3A_36 = arith.addf %dot_general3A_29, %mul3A_35 : vector<128x512xf32>
    %mul3A_37 = arith.constant 0.797884583 : f32
    %mul3A_38 = vector.broadcast %mul3A_37 : f32 to vector<128x512xf32>
    %mul3A_39 = arith.mulf %mul3A_38, %add3A_36 : vector<128x512xf32>
    %tanh3A = math.tanh %mul3A_39 : vector<128x512xf32>
    %add3A_40 = arith.constant 1.000000e+00 : f32
    %add3A_41 = vector.broadcast %add3A_40 : f32 to vector<128x512xf32>
    %add3A_42 = arith.addf %add3A_41, %tanh3A : vector<128x512xf32>
    %mul3A_43 = arith.constant 5.000000e-01 : f32
    %mul3A_44 = vector.broadcast %mul3A_43 : f32 to vector<128x512xf32>
    %mul3A_45 = arith.mulf %mul3A_44, %add3A_42 : vector<128x512xf32>
    %mul3A_46 = arith.mulf %dot_general3A_29, %mul3A_45 : vector<128x512xf32>
    %mul3A_47 = arith.mulf %mul3A_46, %dot_general3A_31 : vector<128x512xf32>
    %dot_general3A_48 = arith.constant dense<0.000000e+00> : vector<128x1024xf32>
    %dot_general3A_49 = tpu.matmul %mul3A_47, %get3A_28, %dot_general3A_48 {dimension_numbers = #tpu.dot_dimension_numbers<[1], [1], [0], [0], [0, 0, 1, 0], [], []>, transpose_lhs_hint = false} : vector<128x512xf32>, vector<1024x512xf32>, vector<128x1024xf32> -> vector<128x1024xf32>
    %mul3A_50 = vector.broadcast %broadcast_in_dim3A_13 : vector<128x1xf32> to vector<128x1024xf32>
    %mul3A_51 = arith.mulf %mul3A_50, %dot_general3A_49 : vector<128x1024xf32>
    %add3A_52 = arith.addf %broadcast_in_dim3A_2, %mul3A_51 : vector<128x1024xf32>
    %iota3A_53 = tpu.iota {dimensions = array<i32: 1>} : vector<128x64xi32>
    %mul3A_54 = arith.constant 2 : i32
    %mul3A_55 = arith.muli %arg0, %mul3A_54 : i32
    %add3A_56 = arith.constant 32 : i32
    %add3A_57 = arith.addi %add3A_56, %mul3A_55 : i32
    %add3A_58 = arith.constant 1 : i32
    %add3A_59 = arith.addi %add3A_57, %add3A_58 : i32
    %eq3A_60 = vector.broadcast %add3A_59 : i32 to vector<128x64xi32>
    %eq3A_61 = arith.cmpi eq, %iota3A_53, %eq3A_60 : vector<128x64xi32>
    %get3A_62 = arith.constant 0 : index
    %get3A_63 = arith.constant 0 : index
    %get3A_64 = vector.load %arg1[%get3A_62, %get3A_63] : memref<128x64xf32, #tpu.memory_space<vmem>>, vector<128x64xf32>
    %jit3A_65 = arith.constant 0.000000e+00 : f32
    %broadcast_in_dim3A_66 = vector.broadcast %jit3A_65 : f32 to vector<128x64xf32>
    %select_n3A_67 = arith.select %eq3A_61, %get3A_64, %broadcast_in_dim3A_66 : vector<128x64xi1>, vector<128x64xf32>
    %reduce_sum3A_68 = arith.constant dense<0.000000e+00> : vector<128xf32>
    %reduce_sum3A_69 = vector.multi_reduction <add>, %select_n3A_67, %reduce_sum3A_68 [1] : vector<128x64xf32> to vector<128xf32>
    %broadcast_in_dim3A_70 = vector.shape_cast %reduce_sum3A_69 : vector<128xf32> to vector<128x1xf32>
    %get3A_71 = arith.constant 1 : index
    %get3A_72 = arith.constant 0 : index
    %get3A_73 = arith.constant 0 : index
    %get3A_74 = vector.load %arg3[%get3A_71, %get3A_72, %get3A_73] : memref<2x512x1024xf32, #tpu.memory_space<vmem>>, vector<1x512x1024xf32>
    %get3A_75 = vector.shape_cast %get3A_74 : vector<1x512x1024xf32> to vector<512x1024xf32>
    %get3A_76 = arith.constant 1 : index
    %get3A_77 = arith.constant 0 : index
    %get3A_78 = arith.constant 0 : index
    %get3A_79 = vector.load %arg4[%get3A_76, %get3A_77, %get3A_78] : memref<2x512x1024xf32, #tpu.memory_space<vmem>>, vector<1x512x1024xf32>
    %get3A_80 = vector.shape_cast %get3A_79 : vector<1x512x1024xf32> to vector<512x1024xf32>
    %get3A_81 = arith.constant 1 : index
    %get3A_82 = arith.constant 0 : index
    %get3A_83 = arith.constant 0 : index
    %get3A_84 = vector.load %arg5[%get3A_81, %get3A_82, %get3A_83] : memref<2x1024x512xf32, #tpu.memory_space<vmem>>, vector<1x1024x512xf32>
    %get3A_85 = vector.shape_cast %get3A_84 : vector<1x1024x512xf32> to vector<1024x512xf32>
    %dot_general3A_86 = arith.constant dense<0.000000e+00> : vector<128x512xf32>
    %dot_general3A_87 = tpu.matmul %get3A_1, %get3A_75, %dot_general3A_86 {dimension_numbers = #tpu.dot_dimension_numbers<[1], [1], [0], [0], [0, 0, 1, 0], [], []>, transpose_lhs_hint = false} : vector<128x1024xf32>, vector<512x1024xf32>, vector<128x512xf32> -> vector<128x512xf32>
    %dot_general3A_88 = arith.constant dense<0.000000e+00> : vector<128x512xf32>
    %dot_general3A_89 = tpu.matmul %get3A_1, %get3A_80, %dot_general3A_88 {dimension_numbers = #tpu.dot_dimension_numbers<[1], [1], [0], [0], [0, 0, 1, 0], [], []>, transpose_lhs_hint = false} : vector<128x1024xf32>, vector<512x1024xf32>, vector<128x512xf32> -> vector<128x512xf32>
    %integer_pow3A_90 = arith.mulf %dot_general3A_87, %dot_general3A_87 : vector<128x512xf32>
    %integer_pow3A_91 = arith.mulf %dot_general3A_87, %integer_pow3A_90 : vector<128x512xf32>
    %mul3A_92 = arith.constant 4.471500e-02 : f32
    %mul3A_93 = vector.broadcast %mul3A_92 : f32 to vector<128x512xf32>
    %mul3A_94 = arith.mulf %mul3A_93, %integer_pow3A_91 : vector<128x512xf32>
    %add3A_95 = arith.addf %dot_general3A_87, %mul3A_94 : vector<128x512xf32>
    %mul3A_96 = arith.constant 0.797884583 : f32
    %mul3A_97 = vector.broadcast %mul3A_96 : f32 to vector<128x512xf32>
    %mul3A_98 = arith.mulf %mul3A_97, %add3A_95 : vector<128x512xf32>
    %tanh3A_99 = math.tanh %mul3A_98 : vector<128x512xf32>
    %add3A_100 = arith.constant 1.000000e+00 : f32
    %add3A_101 = vector.broadcast %add3A_100 : f32 to vector<128x512xf32>
    %add3A_102 = arith.addf %add3A_101, %tanh3A_99 : vector<128x512xf32>
    %mul3A_103 = arith.constant 5.000000e-01 : f32
    %mul3A_104 = vector.broadcast %mul3A_103 : f32 to vector<128x512xf32>
    %mul3A_105 = arith.mulf %mul3A_104, %add3A_102 : vector<128x512xf32>
    %mul3A_106 = arith.mulf %dot_general3A_87, %mul3A_105 : vector<128x512xf32>
    %mul3A_107 = arith.mulf %mul3A_106, %dot_general3A_89 : vector<128x512xf32>
    %dot_general3A_108 = arith.constant dense<0.000000e+00> : vector<128x1024xf32>
    %dot_general3A_109 = tpu.matmul %mul3A_107, %get3A_85, %dot_general3A_108 {dimension_numbers = #tpu.dot_dimension_numbers<[1], [1], [0], [0], [0, 0, 1, 0], [], []>, transpose_lhs_hint = false} : vector<128x512xf32>, vector<1024x512xf32>, vector<128x1024xf32> -> vector<128x1024xf32>
    %mul3A_110 = vector.broadcast %broadcast_in_dim3A_70 : vector<128x1xf32> to vector<128x1024xf32>
    %mul3A_111 = arith.mulf %mul3A_110, %dot_general3A_109 : vector<128x1024xf32>
    %add3A_112 = arith.addf %add3A_52, %mul3A_111 : vector<128x1024xf32>
    %eq3A_113 = arith.constant 0 : i32
    %eq3A_114 = arith.cmpi eq, %arg0, %eq3A_113 : i32
    %convert_element_type3A = arith.extui %eq3A_114 : i1 to i32
    %cond3A = arith.constant 0 : i32
    %cond3A_115 = arith.cmpi ne, %convert_element_type3A, %cond3A : i32
    scf.if %cond3A_115 {
      %swap3A = arith.constant 0 : index
      %swap3A_120 = arith.constant 0 : index
      %swap3A_121 = vector.load %arg6[%swap3A, %swap3A_120] : memref<128x1024xf32, #tpu.memory_space<vmem>>, vector<128x1024xf32>
      tpu.vector_store %arg6[%swap3A, %swap3A_120], %add3A_112 {strides = array<i32>} : memref<128x1024xf32, #tpu.memory_space<vmem>>, vector<128x1024xf32>,
    } else {
    }
    %ne3A = arith.constant 0 : i32
    %ne3A_116 = arith.cmpi ne, %arg0, %ne3A : i32
    %convert_element_type3A_117 = arith.extui %ne3A_116 : i1 to i32
    %cond3A_118 = arith.constant 0 : i32
    %cond3A_119 = arith.cmpi ne, %convert_element_type3A_117, %cond3A_118 : i32
    scf.if %cond3A_119 {
      %get3A_120 = arith.constant 0 : index
      %get3A_121 = arith.constant 0 : index
      %get3A_122 = vector.load %arg6[%get3A_120, %get3A_121] : memref<128x1024xf32, #tpu.memory_space<vmem>>, vector<128x1024xf32>
      %add3A_123 = arith.addf %get3A_122, %add3A_112 : vector<128x1024xf32>
      %swap3A = arith.constant 0 : index
      %swap3A_124 = arith.constant 0 : index
      %swap3A_125 = vector.load %arg6[%swap3A, %swap3A_124] : memref<128x1024xf32, #tpu.memory_space<vmem>>, vector<128x1024xf32>
      tpu.vector_store %arg6[%swap3A, %swap3A_124], %add3A_123 {strides = array<i32>} : memref<128x1024xf32, #tpu.memory_space<vmem>>, vector<128x1024xf32>,
    } else {
    }
    return
  }
  func.func @transform_0(%arg0: i32) -> (i32, i32) {
    %c0_i32 = arith.constant 0 : i32
    %c0_i32_0 = arith.constant 0 : i32
    %c0_i32_1 = arith.constant 0 : i32
    return %c0_i32, %c0_i32_0 : i32, i32
  }
  func.func @transform_1(%arg0: i32) -> (i32, i32) {
    %c0_i32 = arith.constant 0 : i32
    %c0_i32_0 = arith.constant 0 : i32
    %c0_i32_1 = arith.constant 0 : i32
    return %c0_i32, %c0_i32_0 : i32, i32
  }
  func.func @transform_2(%arg0: i32) -> (i32, i32, i32) {
    %add3A = arith.constant 16 : i32
    %add3A_0 = arith.addi %arg0, %add3A : i32
    %c0_i32 = arith.constant 0 : i32
    %c0_i32_1 = arith.constant 0 : i32
    %c0_i32_2 = arith.constant 0 : i32
    return %add3A_0, %c0_i32, %c0_i32_1 : i32, i32, i32
  }
  func.func @transform_3(%arg0: i32) -> (i32, i32, i32) {
    %add3A = arith.constant 16 : i32
    %add3A_0 = arith.addi %arg0, %add3A : i32
    %c0_i32 = arith.constant 0 : i32
    %c0_i32_1 = arith.constant 0 : i32
    %c0_i32_2 = arith.constant 0 : i32
    return %add3A_0, %c0_i32, %c0_i32_1 : i32, i32, i32
  }
  func.func @transform_4(%arg0: i32) -> (i32, i32, i32) {
    %add3A = arith.constant 16 : i32
    %add3A_0 = arith.addi %arg0, %add3A : i32
    %c0_i32 = arith.constant 0 : i32
    %c0_i32_1 = arith.constant 0 : i32
    %c0_i32_2 = arith.constant 0 : i32
    return %add3A_0, %c0_i32, %c0_i32_1 : i32, i32, i32
  }
  func.func @transform_5(%arg0: i32) -> (i32, i32) {
    %c0_i32 = arith.constant 0 : i32
    %c0_i32_0 = arith.constant 0 : i32
    %c0_i32_1 = arith.constant 0 : i32
    return %c0_i32, %c0_i32_0 : i32, i32
  }
}

</mosaic_0001>

<sc_bundles>
// kernel: kernel.5.cloned.1.call-start
scs
__scs_entry_jumppad:
0x0: {  	(pc) =	sbr.rel $0x88, $3  }
0x1: {  	(tag) =	ssettag $0x0;
	lr =	simm.s32 $0x1  }
0x2: {  	[smem:$0x3F9B] =	sst lr;
	_ =	strace $0xD0000000  }
0x3: {  	_ = 	snop  }
0x4: {  	_ = 	snop  }
0x5: {  	_ = 	snop  }
0x6: {  	_ = 	snop  }
0x7: {  	_ = 	snop  }
__scs_overlays_trampoline_lowered:
0x8: {  	[smem:$0x3FAA] =	sst s0  }
0x9: {  	[smem:$0x3FAB] =	sst s1  }
0xa: {  	[smem:$0x3FAC] =	sst s2  }
0xb: {  	[smem:$0x3FAD] =	sst s3  }
0xc: {  	[smem:$0x3FAE] =	sst s4  }
0xd: {  	[smem:$0x3FAF] =	sst s5  }
0xe: {  	[smem:$0x3FB0] =	sst s6  }
0xf: {  	[smem:$0x3FB1] =	sst s7  }
0x10: {  	[smem:$0x3FB2] =	sst s8  }
0x11: {  	[smem:$0x3FB3] =	sst s9;
	s0 =	simm.s32 @!p0 $0x0  }
0x12: {  	s1 =	sld [smem:$0x3F99];
	s0 =	simm.s32 @p0 $0x1  }
0x13: {  	[smem:$0x3FB4] =	sst s0;
	s0 =	simm.s32 @!p1 $0x0  }
0x14: {  	s2 =	sld [smem:$0x3F98];
	s0 =	simm.s32 @p1 $0x1  }
0x15: {  	[smem:$0x3FB5] =	sst s0;
	s0 =	simm.s32 @!p2 $0x0  }
0x16: {  	s3 =	sld [smem:$0x3FDB];
	s0 =	simm.s32 @p2 $0x1  }
0x17: {  	s4 =	simm.s32 $0x1BF5;
	[smem:$0x3FB7] =	sst s0  }
0x18: {  	s0 =	sld [smem:$0x3F9A];
	_ =	swait.ge [sflag:s4], $0x0  }
0x19: {  	s7 =	sld [smem:$0x3F9B]  }
0x1a: {  	s8 =	sadd.s32 $0xFFFFE003, lr  }
0x1b: {  	s9 =	sadd.s32 $0xFFFFFEF7, lr;
	s5 =	simm.s32 $0xFFFFFFFF;
	p2 =	slt.u32 s8, $0xFFFFF086  }
0x1c: {  	p1 =	slt.u32 s9, $0xF7A;
	s5 =	simm.s32 @!p2 $0x0  }
0x1d: {  	s5 =	simm.s32 @p1 $0x1;
	p0 =	seq.s32 s7, s2  }
0x1e: {  	s7 =	smul.u32 @!p0 $0xF7A, s2;
	p2 =	seq.s32 @!p0 s5, $0x0  }
0x1f: {  	s9 =	smul.u32 $0xF7A, s1;
	s8 =	simm.s32 @!p0 $0x1BF5;
	p2 =	por !p2, p0  }
0x20: {  	[sflag:s8] =	ssyncset.s32 @!p0 $0xFFFFF086;
	s6 =	sadd.s32 @!p0 s3, s7;
	s7 =	simm.s32 @!p0 $0x108  }
0x21: {  	s3 =	sadd.s32 s3, s9;
	s6 =	sadd.s32 @!p0 $0x88, s6;
	s7 =	simm.s32 @p2 $0x1082  }
0x22: {  	[simem:s7], [sflag:s8] =	dma.local @!p0 [hbm:s6], $0xF7A  }
0x23: {  	s9 =	sor.u32 $0xD0000000, s2;
	s6 =	simm.s32 $0x108;
	_ =	swait.ge @!p0 [sflag:s8], $0x0  }
0x24: {  	s3 =	sadd.s32 $0x88, s3;
	s6 =	simm.s32 @!p1 $0x1082;
	[sflag:s4] =	ssyncset.s32 $0xFFFFF086  }
0x25: {  	[simem:s6], [sflag:s4] =	dma.local [hbm:s3], $0xF7A  }
0x26: {  	[smem:$0x3F9B] =	sst s1;
	(tag) =	ssettag s2;
	_ =	strace s9  }
0x27: {  	s1 =	sld [smem:$0x3FAB]  }
0x28: {  	s2 =	sld [smem:$0x3FAC]  }
0x29: {  	s4 =	sld [smem:$0x3FAE]  }
0x2a: {  	p0 =	seq.s32 s5, $0x0;
	s5 =	sld [smem:$0x3FAF]  }
0x2b: {  	s6 =	sld [smem:$0x3FB0]  }
0x2c: {  	s7 =	sld [smem:$0x3FB1]  }
0x2d: {  	s3 =	simm.s32 $0x108;
	s8 =	sld [smem:$0x3FB2]  }
0x2e: {  	s3 =	simm.s32 @!p0 $0x1082;
	s9 =	sld [smem:$0x3FB3]  }
0x2f: {  	lr =	sadd.s32 s0, s3;
	s0 =	sld [smem:$0x3FAA]  }
0x30: {  	s3 =	sld [smem:$0x3FAD]  }
0x31: {  	[smem:$0x3FB6] =	sst s10  }
0x32: {  	s10 =	sld [smem:$0x3FB4];
	_ =	sdelay $0x3  }
0x33: {  	p0 =	seq.s32 s10, $0x1;
	s10 =	sld [smem:$0x3FB6];
	_ =	sdelay $0x3  }
0x34: {  	[smem:$0x3FB6] =	sst s10  }
0x35: {  	s10 =	sld [smem:$0x3FB5];
	_ =	sdelay $0x3  }
0x36: {  	p1 =	seq.s32 s10, $0x1;
	s10 =	sld [smem:$0x3FB6];
	_ =	sdelay $0x3  }
0x37: {  	[smem:$0x3FB6] =	sst s10  }
0x38: {  	s10 =	sld [smem:$0x3FB7]  }
0x39: {  	_ = 	snop;
	(pc) =	sbr.ind lr, $3  }
0x3a: {  	_ = 	snop  }
0x3b: {  	_ = 	snop  }
0x3c: {  	p2 =	seq.s32 s10, $0x1;
	s10 =	sld [smem:$0x3FB6]  }
0x3d: {  	_ =	shalt  }
0x3e: {  	_ =	shalt  }
0x3f: {  	_ =	shalt  }
0x40: {  	_ =	shalt  }
0x41: {  	_ =	shalt  }
0x42: {  	_ =	shalt  }
0x43: {  	_ =	shalt  }
0x44: {  	_ =	shalt  }
0x45: {  	_ =	shalt  }
0x46: {  	_ =	shalt  }
0x47: {  	_ =	shalt  }
0x48: {  	_ =	shalt  }
0x49: {  	_ =	shalt  }
0x4a: {  	_ =	shalt  }
0x4b: {  	_ =	shalt  }
0x4c: {  	_ =	shalt  }
0x4d: {  	_ =	shalt  }
0x4e: {  	_ =	shalt  }
0x4f: {  	_ =	shalt  }
0x50: {  	_ =	shalt  }
0x51: {  	_ =	shalt  }
0x52: {  	_ =	shalt  }
0x53: {  	_ =	shalt  }
0x54: {  	_ =	shalt  }
0x55: {  	_ =	shalt  }
0x56: {  	_ =	shalt  }
0x57: {  	_ =	shalt  }
0x58: {  	_ =	shalt  }
0x59: {  	_ =	shalt  }
0x5a: {  	_ =	shalt  }
0x5b: {  	_ =	shalt  }
0x5c: {  	_ =	shalt  }
0x5d: {  	_ =	shalt  }
0x5e: {  	_ =	shalt  }
0x5f: {  	_ =	shalt  }
0x60: {  	_ =	shalt  }
0x61: {  	_ =	shalt  }
0x62: {  	_ =	shalt  }
0x63: {  	_ =	shalt  }
0x64: {  	_ =	shalt  }
0x65: {  	_ =	shalt  }
0x66: {  	_ =	shalt  }
0x67: {  	_ =	shalt  }
0x68: {  	_ =	shalt  }
0x69: {  	_ =	shalt  }
0x6a: {  	_ =	shalt  }
0x6b: {  	_ =	shalt  }
0x6c: {  	_ =	shalt  }
0x6d: {  	_ =	shalt  }
0x6e: {  	_ =	shalt  }
0x6f: {  	_ =	shalt  }
0x70: {  	_ =	shalt  }
0x71: {  	_ =	shalt  }
0x72: {  	_ =	shalt  }
0x73: {  	_ =	shalt  }
0x74: {  	_ =	shalt  }
0x75: {  	_ =	shalt  }
0x76: {  	_ =	shalt  }
0x77: {  	_ =	shalt  }
0x78: {  	_ =	shalt  }
0x79: {  	_ =	shalt  }
0x7a: {  	_ =	shalt  }
0x7b: {  	_ =	shalt  }
0x7c: {  	_ =	shalt  }
0x7d: {  	_ =	shalt  }
0x7e: {  	_ =	shalt  }
0x7f: {  	_ =	shalt  }
0x80: {  	_ =	shalt  }
0x81: {  	_ =	shalt  }
0x82: {  	_ =	shalt  }
0x83: {  	_ =	shalt  }
0x84: {  	_ =	shalt  }
0x85: {  	_ =	shalt  }
0x86: {  	_ =	shalt  }
0x87: {  	_ =	shalt  }
.Lfunc_end0:
.L_simem_size_0:
called_computation_lowered:
.L_overlay_start_0:
0x88: {  	s2 =	sld [smem:$0x3FD9]  }
0x89: {  	s3 =	sld [smem:$0x3FFE];
	_ =	sdelay $0x1  }
0x8a: {  	s1 =	srdreg.scid  }
0x8b: {  	s0 =	sand.u32 $0x1, s1  }
0x8c: {  	s17 =	sshll.u32 s0, $0xA;
	s2 =	sadd.s32 s3, s2  }
0x8d: {  	s2 =	sadd.s32 s2, s17  }
0x8e: {  	[smem:$0x3FC2] =	sst s2  }
0x8f: {  	_ = 	snop  }
0x90: {  	s2 =	sld [smem:$0x3FD0];
	(tm) =	ssettm $0x1  }
0x91: {  	s18 =	sld [smem:$0x3FFB];
	_ =	sdelay $0x3  }
0x92: {  	_ =	strace s18  }
0x93: {  	s3 =	sld [smem:$0x3FFC];
	_ =	sdelay $0x3  }
0x94: {  	_ =	strace s3  }
0x95: {  	s3 =	sld [smem:$0x3FFD];
	_ =	sdelay $0x3  }
0x96: {  	_ =	strace s3  }
0x97: {  	_ =	strace $0x8FFFFFFF  }
0x98: {  	s19 =	sld [smem:$0x3FDB];
	_ =	sdelay $0x1  }
0x99: {  	s4 =	simm.s32 $_scs_section_size  }
0x9a: {  	s5 =	simm.s32 $_size__tile_overlayer_lowered;
	s6 =	simm.s32 $_tile_overlayer_lowered  }
0x9b: {  	s22 =	simm.s32 $0x1BFF;
	s21 =	sshll.u32 s6, $0x1;
	s3 =	sadd.s32 s4, s19  }
0x9c: {  	s7 =	simm.s32 $0x0;
	s20 =	sshll.u32 s5, $0x1;
	s5 =	sadd.s32 s21, s3  }
0x9d: {  	[timem:s7], [sflag:s22] =	dma.local [hbm:s5], s20  }
0x9e: {  	_ =	swait.ge [sflag:s22], s20  }
0x9f: {  	s4 =	ssub.s32 $0x0, s20;
	[sflag:s22] =	ssyncset.done $0x0  }
0xa0: {  	[sflag:s22] =	ssyncadd.s32 s4;
	_ =	sdelay $0x1  }
0xa1: {  	s23 =	simm.s32 $0x1B8B  }
0xa2: {  	_ =	swait.ge [sflag:s23], $0x1  }
0xa3: {  	[sflag:s23] =	ssyncset.done $0x0  }
0xa4: {  	s25 =	simm.s32 $0x1B8E;
	s24 =	sld [smem:$0x3FFE];
	[sflag:s23] =	ssyncadd.s32 $0xFFFFFFFF  }
0xa5: {  	s26 =	simm.s32 $execute0_lowered;
	[smem:$0x3FD2] =	sst s25  }
0xa6: {  	s5 =	sshll.u32 s26, $0x1;
	_ =	strace $0x80000046;
	[dreg:$0x1] =	wrdreg $0xFFFFFFFF  }
0xa7: {  	s28 =	simm.s32 $_size_execute0_lowered;
	s3 =	sadd.s32 s3, s5;
	[dreg:$0x0] =	wrdreg $0x0  }
0xa8: {  	s5 =	sshll.u32 s28, $0x1;
	[dreg:$0x2] =	wrdreg s3  }
0xa9: {  	[dreg:$0x3] =	wrdreg s5  }
0xaa: {  	[dreg:$0x4] =	wrdreg $0xC0  }
0xab: {  	_ =	task [dreg:s7], $0x5FFFF  }
0xac: {  	[dreg:$0x1] =	wrdreg $0xFFFFFFFF  }
0xad: {  	[dreg:$0x0] =	wrdreg $0x60  }
0xae: {  	[dreg:$0x2] =	wrdreg s24  }
0xaf: {  	[dreg:$0x3] =	wrdreg s2  }
0xb0: {  	[dreg:$0x4] =	wrdreg $0x9  }
0xb1: {  	_ =	task.clear_ibuf [dreg:s7], $0x5FFFF;
	_ =	strace $0x90000046  }
0xb2: {  	s29 =	simm.s32 $0x9;
	_ =	strace $0x80000048  }
0xb3: {  	_ =	swait.ge [sflag:s29], $0x1  }
0xb4: {  	[sflag:s29] =	ssyncadd.s32 $0xFFFFFFFF  }
0xb5: {  	_ =	strace $0x90000048  }
0xb6: {  	_ =	sfence  }
0xb7: {  	s30 =	sld [smem:$0x0];
	_ =	sdelay $0x2  }
0xb8: {  	s31 =	sshll.u32 s1, $0xD;
	s1 =	sshrl.u32 s1, $0x2  }
0xb9: {  	s3 =	sand.u32 $0x4000, s31;
	s1 =	sadd.s32 s1, s30  }
0xba: {  	s0 =	sor.u32 s3, s0;
	s1 =	sshll.u32 s1, $0x11  }
0xbb: {  	s0 =	sor.u32 s1, s0  }
0xbc: {  	s0 =	sadd.s32 $0x8F2B, s0  }
0xbd: {  	[sflag:s0] =	ssyncadd.remote.s32 $0x1  }
0xbe: {  	_ =	sfence.sel $0xFFFF  }
0xbf: {  	[dreg:$0x0] =	wrdreg $0xFFFFFFFF;
	(pc) =	sbr.abs _section_cstart, $3  }
0xc0: {  	[dreg:$0x1] =	wrdreg $0xFFFFFFFF  }
0xc1: {  	_ =	task.clear_ibuf [dreg:s7], $0x2FFFF;
	_ =	strace $0x9FFFFFFF  }
0xc2: {  	(tm) =	ssettm $0x7FFFFFFF  }
0xc3: {  	_ =	shalt  }
tec
execute0_lowered:
.L_overlay_start_1:
0x0: {  	(tag) =	ssettag $0x1  }
0x1: {  	s3 =	rddreg [dreg:$0x0]  }
0x2: {  	s1 =	srdreg.scid;
	s0 =	stileid.u32  }
0x3: {  	s5 =	rddreg [dreg:$0x1];
	s2 =	simm.s32 $0x0;
	s9 =	simm.s32 $0x100  }
0x4: {  	s4 =	sand.u32 $0x1, s1;
	s6 =	sshll.u32 s0, $0x1;
	s1 =	rddreg [dreg:$0x2]  }
0x5: {  	[smem:$0x7FF] =	sst s2;
	s6 =	sor.u32 s4, s6;
	s4 =	ssub.s32 $0x2, s4  }
0x6: {  	_ =	strace $0x80000047;
	s7 =	sshll.u32 s6, $0x2;
	s31 =	sshrl.u32 s4, $0x1  }
0x7: {  	s6 =	sshll.u32 s6, $0x5;
	s7 =	sadd.s32 s7, s3;
	s8 =	ssub.s32 s4, s31  }
0x8: {  	v0 =	vlaneseq.u32;
	s5 =	sadd.s32 s5, s6;
	s3 =	sadd.s32 $0x800, s7;
	s4 =	sadd.s32 $0xA00, s7  }
0x9: {  	v1 =	vor.u32 $0x10, v0;
	v2 =	vor.u32 $0x20, v0;
	v3 =	vor.u32 $0x30, v0;
	s6 =	smax.u32 s8, $0x1;
	s7 =	simm.s32 $0x1;
	s8 =	simm.s32 $0x80  }
.LBB2_1:
0xa: {  	[tilespmem:s2], [sflag:$0x1] =	stream.linear.gather [hbm4b:s3+s2], $0x20, $0x38;
	[tilespmem:$0x200] =	vst v63  }
0xb: {  	_ =	swait.ge [sflag:s7], $0x20  }
0xc: {  	[sflag:s7] =	ssyncset.done $0x0  }
0xd: {  	[sflag:s7] =	ssyncadd.s32 $0xFFFFFFE0  }
0xe: {  	[tilespmem:s8], [sflag:$0x1] =	stream.linear.gather [hbm4b:s4+s2], $0x20, $0x38;
	[tilespmem:$0x200] =	vst v63  }
0xf: {  	_ =	swait.ge [sflag:s7], $0x20  }
0x10: {  	[sflag:s7] =	ssyncset.done $0x0  }
0x11: {  	[sflag:s7] =	ssyncadd.s32 $0xFFFFFFE0  }
0x12: {  	v5 =	vld [tilespmem:$0x0]  }
0x13: {  	v4 =	vld [tilespmem:$0x80];
	_ =	sdelay $0x3  }
0x14: {  	v7 =	vbroadcast v5, $0x0;
	v9 =	vbroadcast v5, $0x1  }
0x15: {  	v11 =	vbroadcast v4, $0x1;
	v14 =	vbroadcast v5, $0x2  }
0x16: {  	v54 =	vld [tilespmem:$0x0];
	v25 =	vbroadcast v4, $0x2;
	v30 =	vbroadcast v5, $0x3  }
0x17: {  	v52 =	vld [tilespmem:$0x80];
	v32 =	vbroadcast v4, $0x3;
	v36 =	vbroadcast v5, $0x4  }
0x18: {  	v38 =	vbroadcast v4, $0x4;
	v42 =	vbroadcast v5, $0x5  }
0x19: {  	v44 =	vbroadcast v4, $0x5;
	v48 =	vbroadcast v5, $0x6  }
0x1a: {  	v50 =	vbroadcast v4, $0x6;
	v5 =	vbroadcast v5, $0x7  }
0x1b: {  	v6 =	vadd.f32 $0.0e+00, v4;
	v4 =	vbroadcast v4, $0x7;
	v16 =	vbroadcast v54, $0x8  }
0x1c: {  	v19 =	vbroadcast v54, $0x9;
	v62 =	vbroadcast v52, $0x9  }
0x1d: {  	v58 =	vadd.f32 $0.0e+00, v52;
	v23 =	vbroadcast v54, $0xA;
	v6 =	vbroadcast v6, $0x0  }
0x1e: {  	vm0 =	veq.s32 v7, v0;
	vm10 =	veq.s32 v7, v1;
	vm11 =	veq.s32 v7, v2  }
0x1f: {  	vm12 =	veq.s32 v7, v3;
	vm1 =	veq.s32 v9, v0;
	vm13 =	veq.s32 v9, v1  }
0x20: {  	vm14 =	veq.s32 v9, v2;
	vm15 =	veq.s32 v9, v3;
	vm4 =	veq.s32 v14, v0  }
0x21: {  	vm5 =	veq.s32 v14, v1;
	vm6 =	veq.s32 v14, v2;
	vm7 =	veq.s32 v14, v3  }
0x22: {  	vm8 =	veq.s32 v30, v0;
	vm9 =	veq.s32 v30, v1;
	v24 =	vnsel vm1, $0x0, v11  }
0x23: {  	v13 =	vnsel vm13, $0x0, v11;
	v15 =	vnsel vm14, $0x0, v11;
	v26 =	vnsel vm15, $0x0, v11  }
0x24: {  	v28 =	vnsel vm4, $0x0, v25;
	v29 =	vnsel vm5, $0x0, v25;
	v31 =	vnsel vm6, $0x0, v25  }
0x25: {  	v9 =	vnsel vm7, $0x0, v25;
	v34 =	vnsel vm8, $0x0, v32;
	v35 =	vnsel vm9, $0x0, v32  }
0x26: {  	vm13 =	veq.s32 v36, v1;
	vm14 =	veq.s32 v36, v2;
	vm15 =	veq.s32 v36, v3  }
0x27: {  	vm4 =	veq.s32 v42, v0;
	vm5 =	veq.s32 v42, v1;
	vm6 =	veq.s32 v42, v2  }
0x28: {  	vm7 =	veq.s32 v42, v3;
	vm8 =	veq.s32 v48, v0;
	vm9 =	veq.s32 v48, v1  }
0x29: {  	v25 =	vbroadcast v52, $0xA;
	v11 =	vbroadcast v54, $0xF;
	v8 =	vnsel vm0, $0x0, v6  }
0x2a: {  	v10 =	vnsel vm10, $0x0, v6;
	v12 =	vnsel vm11, $0x0, v6;
	v6 =	vnsel vm12, $0x0, v6  }
0x2b: {  	vm10 =	veq.s32 v30, v2;
	vm11 =	veq.s32 v30, v3;
	vm12 =	veq.s32 v36, v0  }
0x2c: {  	v41 =	vnsel vm13, $0x0, v38;
	v43 =	vnsel vm14, $0x0, v38;
	v45 =	vnsel vm15, $0x0, v38  }
0x2d: {  	v46 =	vnsel vm4, $0x0, v44;
	v47 =	vnsel vm5, $0x0, v44;
	v49 =	vnsel vm6, $0x0, v44  }
0x2e: {  	v51 =	vnsel vm8, $0x0, v50;
	v53 =	vnsel vm9, $0x0, v50;
	vm13 =	veq.s32 v5, v1  }
0x2f: {  	vm14 =	veq.s32 v5, v2;
	vm15 =	veq.s32 v5, v3;
	vm4 =	veq.s32 v16, v0  }
0x30: {  	vm5 =	veq.s32 v16, v1;
	vm6 =	veq.s32 v16, v2;
	vm8 =	veq.s32 v19, v0  }
0x31: {  	vm9 =	veq.s32 v19, v1;
	v7 =	vadd.f32 v8, v24;
	v10 =	vadd.f32 v10, v13  }
0x32: {  	v30 =	vbroadcast v52, $0xB;
	v27 =	vadd.f32 v12, v15;
	v6 =	vadd.f32 v6, v26  }
0x33: {  	v37 =	vnsel vm10, $0x0, v32;
	v39 =	vnsel vm11, $0x0, v32;
	v40 =	vnsel vm12, $0x0, v38  }
0x34: {  	vm10 =	veq.s32 v48, v2;
	vm11 =	veq.s32 v48, v3;
	vm12 =	veq.s32 v5, v0  }
0x35: {  	v59 =	vnsel vm13, $0x0, v4;
	v17 =	vnsel vm14, $0x0, v4;
	v5 =	vbroadcast v58, $0x8  }
0x36: {  	v60 =	vnsel vm15, $0x0, v4;
	v21 =	vnsel vm8, $0x0, v62;
	v22 =	vnsel vm9, $0x0, v62  }
0x37: {  	vm13 =	veq.s32 v23, v1;
	vm14 =	veq.s32 v23, v2;
	vm15 =	veq.s32 v23, v3  }
0x38: {  	v38 =	vbroadcast v54, $0xD;
	v13 =	vbroadcast v52, $0xF;
	v55 =	vnsel vm10, $0x0, v50  }
0x39: {  	v56 =	vnsel vm11, $0x0, v50;
	v57 =	vnsel vm12, $0x0, v4;
	vm10 =	veq.s32 v19, v2  }
0x3a: {  	vm11 =	veq.s32 v19, v3;
	vm12 =	veq.s32 v23, v0;
	v7 =	vadd.f32 v7, v28  }
0x3b: {  	v15 =	vnsel vm15, $0x0, v25;
	v8 =	vadd.f32 v10, v29;
	v33 =	vadd.f32 v27, v31  }
0x3c: {  	v6 =	vadd.f32 v6, v9;
	v9 =	vnsel vm7, $0x0, v44;
	v61 =	vnsel vm4, $0x0, v5  }
0x3d: {  	v18 =	vnsel vm5, $0x0, v5;
	v20 =	vnsel vm6, $0x0, v5;
	vm7 =	veq.s32 v16, v3  }
0x3e: {  	v24 =	vnsel vm10, $0x0, v62;
	v16 =	vnsel vm11, $0x0, v62;
	v26 =	vnsel vm12, $0x0, v25  }
0x3f: {  	v27 =	vnsel vm13, $0x0, v25;
	v28 =	vbroadcast v54, $0xB;
	v29 =	vnsel vm14, $0x0, v25  }
0x40: {  	vm12 =	veq.s32 v38, v0;
	vm13 =	veq.s32 v38, v1;
	vm14 =	veq.s32 v38, v2  }
0x41: {  	v44 =	vbroadcast v54, $0xE;
	vm15 =	veq.s32 v38, v3;
	v14 =	vadd.f32 v20, v24  }
0x42: {  	v63 =	vnsel vm7, $0x0, v5;
	v7 =	vadd.f32 v7, v34;
	v8 =	vadd.f32 v8, v35  }
0x43: {  	v10 =	vadd.f32 v33, v37;
	v6 =	vadd.f32 v6, v39;
	vm4 =	veq.s32 v28, v0  }
0x44: {  	vm5 =	veq.s32 v28, v1;
	vm6 =	veq.s32 v28, v2;
	v33 =	vbroadcast v54, $0xC  }
0x45: {  	vm7 =	veq.s32 v28, v3;
	v35 =	vbroadcast v52, $0xC;
	v14 =	vadd.f32 v14, v29  }
0x46: {  	v31 =	vnsel vm4, $0x0, v30;
	v32 =	vnsel vm5, $0x0, v30;
	v34 =	vnsel vm6, $0x0, v30  }
0x47: {  	v12 =	vnsel vm7, $0x0, v30;
	vm4 =	veq.s32 v44, v0;
	vm5 =	veq.s32 v44, v1  }
0x48: {  	vm6 =	veq.s32 v44, v2;
	v7 =	vadd.f32 v7, v40;
	v8 =	vadd.f32 v8, v41  }
0x49: {  	vm7 =	veq.s32 v44, v3;
	v10 =	vadd.f32 v10, v43;
	v6 =	vadd.f32 v6, v45  }
0x4a: {  	vm8 =	veq.s32 v33, v0;
	vm9 =	veq.s32 v33, v1;
	vm10 =	veq.s32 v33, v2  }
0x4b: {  	vm11 =	veq.s32 v33, v3;
	v40 =	vbroadcast v52, $0xD;
	v14 =	vadd.f32 v14, v34  }
0x4c: {  	v36 =	vnsel vm8, $0x0, v35;
	v37 =	vnsel vm9, $0x0, v35;
	v39 =	vnsel vm10, $0x0, v35  }
0x4d: {  	v41 =	vnsel vm11, $0x0, v35;
	vm8 =	veq.s32 v11, v0;
	vm9 =	veq.s32 v11, v1  }
0x4e: {  	vm10 =	veq.s32 v11, v2;
	v7 =	vadd.f32 v7, v46;
	v8 =	vadd.f32 v8, v47  }
0x4f: {  	vm11 =	veq.s32 v11, v3;
	v10 =	vadd.f32 v10, v49;
	v6 =	vadd.f32 v6, v9  }
0x50: {  	v42 =	vnsel vm12, $0x0, v40;
	v43 =	vnsel vm13, $0x0, v40;
	v45 =	vnsel vm14, $0x0, v40  }
0x51: {  	v46 =	vbroadcast v52, $0xE;
	v14 =	vadd.f32 v14, v39;
	v7 =	vadd.f32 v7, v51  }
0x52: {  	v47 =	vnsel vm15, $0x0, v40;
	v8 =	vadd.f32 v8, v53;
	v9 =	vadd.f32 v10, v55  }
0x53: {  	v10 =	vadd.f32 v6, v56;
	v48 =	vnsel vm4, $0x0, v46;
	v14 =	vadd.f32 v14, v45  }
0x54: {  	v49 =	vnsel vm5, $0x0, v46;
	v4 =	vadd.f32 v7, v57;
	v7 =	vadd.f32 v8, v59  }
0x55: {  	v50 =	vnsel vm6, $0x0, v46;
	v6 =	vadd.f32 v9, v17;
	v5 =	vadd.f32 v10, v60;
	v17 =	vld [tilespmem:$0x10]  }
0x56: {  	v51 =	vnsel vm8, $0x0, v13;
	v9 =	vadd.f32 v61, v21;
	v10 =	vadd.f32 v18, v22  }
0x57: {  	v53 =	vnsel vm9, $0x0, v13;
	v8 =	vadd.f32 v63, v16;
	v14 =	vadd.f32 v14, v50  }
0x58: {  	v55 =	vnsel vm10, $0x0, v13;
	v9 =	vadd.f32 v9, v26;
	v10 =	vadd.f32 v10, v27  }
0x59: {  	v57 =	vnsel vm11, $0x0, v13;
	v8 =	vadd.f32 v8, v15;
	v11 =	vadd.f32 v14, v55  }
0x5a: {  	v15 =	vld [tilespmem:$0x90];
	v9 =	vadd.f32 v9, v31;
	v10 =	vadd.f32 v10, v32;
	v54 =	vbroadcast v17, $0x0  }
0x5b: {  	v8 =	vadd.f32 v8, v12;
	v59 =	vbroadcast v17, $0x1;
	v63 =	vbroadcast v17, $0x2  }
0x5c: {  	v12 =	vnsel vm7, $0x0, v46;
	v29 =	vbroadcast v17, $0x3;
	v34 =	vbroadcast v17, $0x4  }
0x5d: {  	v39 =	vbroadcast v17, $0x5;
	v45 =	vbroadcast v17, $0x6;
	v9 =	vadd.f32 v9, v36  }
0x5e: {  	v17 =	vbroadcast v17, $0x7;
	v10 =	vadd.f32 v10, v37;
	v8 =	vadd.f32 v8, v41  }
0x5f: {  	v52 =	vadd.f32 $0.0e+00, v15;
	vm12 =	veq.s32 v54, v0;
	vm13 =	veq.s32 v54, v1  }
0x60: {  	vm14 =	veq.s32 v54, v2;
	v22 =	vbroadcast v15, $0x1;
	vm15 =	veq.s32 v59, v0  }
0x61: {  	vm4 =	veq.s32 v54, v3;
	vm5 =	veq.s32 v59, v1;
	vm6 =	veq.s32 v59, v2  }
0x62: {  	vm7 =	veq.s32 v59, v3;
	v25 =	vbroadcast v15, $0x2;
	vm8 =	veq.s32 v63, v0  }
0x63: {  	vm9 =	veq.s32 v63, v1;
	vm10 =	veq.s32 v63, v2;
	v31 =	vbroadcast v15, $0x3  }
0x64: {  	vm11 =	veq.s32 v63, v3;
	v35 =	vbroadcast v15, $0x4;
	v41 =	vbroadcast v15, $0x5  }
0x65: {  	v9 =	vadd.f32 v9, v42;
	v8 =	vadd.f32 v8, v47;
	v47 =	vbroadcast v15, $0x6  }
0x66: {  	v10 =	vadd.f32 v10, v43;
	v15 =	vbroadcast v15, $0x7;
	v56 =	vbroadcast v52, $0x0  }
0x67: {  	v61 =	vnsel vm15, $0x0, v22;
	v62 =	vnsel vm5, $0x0, v22;
	v24 =	vnsel vm6, $0x0, v22  }
0x68: {  	v26 =	vnsel vm7, $0x0, v22;
	v27 =	vnsel vm8, $0x0, v25;
	v28 =	vnsel vm9, $0x0, v25  }
0x69: {  	v30 =	vnsel vm10, $0x0, v25;
	v16 =	vnsel vm11, $0x0, v25;
	vm15 =	veq.s32 v29, v3  }
0x6a: {  	vm5 =	veq.s32 v34, v1;
	vm6 =	veq.s32 v34, v2;
	vm7 =	veq.s32 v34, v3  }
0x6b: {  	vm8 =	veq.s32 v39, v0;
	vm9 =	veq.s32 v39, v1;
	vm10 =	veq.s32 v39, v2  }
0x6c: {  	vm11 =	veq.s32 v39, v3;
	v9 =	vadd.f32 v9, v48;
	v10 =	vadd.f32 v10, v49  }
0x6d: {  	v12 =	vadd.f32 v8, v12;
	v36 =	vnsel vm15, $0x0, v31;
	v38 =	vnsel vm5, $0x0, v35  }
0x6e: {  	v40 =	vnsel vm6, $0x0, v35;
	v42 =	vnsel vm7, $0x0, v35;
	v43 =	vnsel vm8, $0x0, v41  }
0x6f: {  	v44 =	vnsel vm9, $0x0, v41;
	v46 =	vnsel vm10, $0x0, v41;
	v48 =	vnsel vm11, $0x0, v41  }
0x70: {  	vm15 =	veq.s32 v45, v3;
	vm5 =	veq.s32 v17, v1;
	vm6 =	veq.s32 v17, v2  }
0x71: {  	vm7 =	veq.s32 v17, v3;
	v58 =	vnsel vm12, $0x0, v56;
	v21 =	vnsel vm13, $0x0, v56  }
0x72: {  	v60 =	vnsel vm14, $0x0, v56;
	v18 =	vnsel vm4, $0x0, v56;
	vm12 =	veq.s32 v29, v0  }
0x73: {  	vm13 =	veq.s32 v29, v1;
	vm14 =	veq.s32 v29, v2;
	v8 =	vadd.f32 v9, v51  }
0x74: {  	vm4 =	veq.s32 v34, v0;
	v9 =	vadd.f32 v10, v53;
	v10 =	vadd.f32 v12, v57  }
0x75: {  	v54 =	vnsel vm5, $0x0, v15;
	v12 =	vadd.f32 v58, v61;
	v13 =	vadd.f32 v21, v62  }
0x76: {  	v14 =	vadd.f32 v60, v24;
	v18 =	vadd.f32 v18, v26;
	v32 =	vnsel vm12, $0x0, v31  }
0x77: {  	v22 =	vld [tilespmem:$0x10];
	v33 =	vnsel vm13, $0x0, v31;
	v23 =	vnsel vm14, $0x0, v31;
	v37 =	vnsel vm4, $0x0, v35  }
0x78: {  	vm12 =	veq.s32 v45, v0;
	vm13 =	veq.s32 v45, v1;
	vm14 =	veq.s32 v45, v2  }
0x79: {  	vm4 =	veq.s32 v17, v0;
	v24 =	vnsel vm6, $0x0, v15;
	v49 =	vnsel vm12, $0x0, v47  }
0x7a: {  	v50 =	vnsel vm13, $0x0, v47;
	v51 =	vnsel vm14, $0x0, v47;
	v52 =	vnsel vm4, $0x0, v15  }
0x7b: {  	v15 =	vnsel vm7, $0x0, v15;
	v12 =	vadd.f32 v12, v27;
	v13 =	vadd.f32 v13, v28  }
0x7c: {  	v14 =	vadd.f32 v14, v30;
	v16 =	vadd.f32 v18, v16;
	v55 =	vbroadcast v22, $0x8  }
0x7d: {  	v18 =	vnsel vm15, $0x0, v47;
	v58 =	vbroadcast v22, $0x9;
	v26 =	vbroadcast v22, $0xA  }
0x7e: {  	v21 =	vld [tilespmem:$0x90];
	v31 =	vbroadcast v22, $0xB;
	v12 =	vadd.f32 v12, v32;
	v13 =	vadd.f32 v13, v33  }
0x7f: {  	v14 =	vadd.f32 v14, v23;
	v16 =	vadd.f32 v16, v36;
	vm8 =	veq.s32 v55, v0  }
0x80: {  	vm9 =	veq.s32 v55, v1;
	vm10 =	veq.s32 v55, v2;
	vm11 =	veq.s32 v55, v3  }
0x81: {  	vm12 =	veq.s32 v58, v0;
	vm13 =	veq.s32 v58, v1;
	vm14 =	veq.s32 v58, v2  }
0x82: {  	vm15 =	veq.s32 v58, v3;
	vm4 =	veq.s32 v26, v0;
	vm5 =	veq.s32 v26, v1  }
0x83: {  	vm6 =	veq.s32 v26, v2;
	vm7 =	veq.s32 v26, v3;
	v53 =	vadd.f32 $0.0e+00, v21  }
0x84: {  	v59 =	vbroadcast v21, $0x9;
	v62 =	vbroadcast v21, $0xA;
	v12 =	vadd.f32 v12, v37  }
0x85: {  	v33 =	vbroadcast v21, $0xB;
	v13 =	vadd.f32 v13, v38;
	v14 =	vadd.f32 v14, v40  }
0x86: {  	v16 =	vadd.f32 v16, v42;
	v38 =	vbroadcast v22, $0xC;
	v40 =	vbroadcast v21, $0xC  }
0x87: {  	v56 =	vbroadcast v53, $0x8;
	v60 =	vnsel vm12, $0x0, v59;
	v61 =	vnsel vm13, $0x0, v59  }
0x88: {  	v27 =	vnsel vm14, $0x0, v59;
	v63 =	vnsel vm15, $0x0, v59;
	v29 =	vnsel vm4, $0x0, v62  }
0x89: {  	v30 =	vnsel vm5, $0x0, v62;
	v32 =	vnsel vm6, $0x0, v62;
	v34 =	vnsel vm7, $0x0, v62  }
0x8a: {  	v59 =	vbroadcast v21, $0xF;
	v12 =	vadd.f32 v12, v43;
	v13 =	vadd.f32 v13, v44  }
0x8b: {  	v14 =	vadd.f32 v14, v46;
	v16 =	vadd.f32 v16, v48;
	vm12 =	veq.s32 v38, v0  }
0x8c: {  	vm13 =	veq.s32 v38, v1;
	vm14 =	veq.s32 v38, v2;
	v44 =	vbroadcast v22, $0xD  }
0x8d: {  	vm15 =	veq.s32 v38, v3;
	v46 =	vbroadcast v21, $0xD;
	v57 =	vnsel vm8, $0x0, v56  }
0x8e: {  	v19 =	vnsel vm9, $0x0, v56;
	v25 =	vnsel vm10, $0x0, v56;
	v17 =	vnsel vm11, $0x0, v56  }
0x8f: {  	vm8 =	veq.s32 v31, v0;
	vm9 =	veq.s32 v31, v1;
	vm10 =	veq.s32 v31, v2  }
0x90: {  	vm11 =	veq.s32 v31, v3;
	v42 =	vnsel vm12, $0x0, v40;
	v12 =	vadd.f32 v12, v49  }
0x91: {  	v43 =	vnsel vm13, $0x0, v40;
	v13 =	vadd.f32 v13, v50;
	v14 =	vadd.f32 v14, v51  }
0x92: {  	v45 =	vnsel vm14, $0x0, v40;
	v16 =	vadd.f32 v16, v18;
	v19 =	vadd.f32 v19, v61  }
0x93: {  	v47 =	vnsel vm15, $0x0, v40;
	v28 =	vadd.f32 v25, v27;
	v17 =	vadd.f32 v17, v63  }
0x94: {  	v36 =	vnsel vm8, $0x0, v33;
	v37 =	vnsel vm9, $0x0, v33;
	v39 =	vnsel vm10, $0x0, v33  }
0x95: {  	v41 =	vnsel vm11, $0x0, v33;
	vm4 =	veq.s32 v44, v0;
	vm5 =	veq.s32 v44, v1  }
0x96: {  	vm6 =	veq.s32 v44, v2;
	v50 =	vbroadcast v22, $0xE;
	vm7 =	veq.s32 v44, v3  }
0x97: {  	v48 =	vnsel vm4, $0x0, v46;
	v12 =	vadd.f32 v12, v52;
	v13 =	vadd.f32 v13, v54  }
0x98: {  	v49 =	vnsel vm5, $0x0, v46;
	v14 =	vadd.f32 v14, v24;
	v15 =	vadd.f32 v16, v15  }
0x99: {  	v51 =	vnsel vm6, $0x0, v46;
	v16 =	vadd.f32 v57, v60;
	v18 =	vadd.f32 v19, v30  }
0x9a: {  	v53 =	vnsel vm7, $0x0, v46;
	v35 =	vadd.f32 v28, v32;
	v17 =	vadd.f32 v17, v34  }
0x9b: {  	[tilespmem:$0x100] =	vst v4;
	v52 =	vbroadcast v21, $0xE;
	vm8 =	veq.s32 v50, v0;
	vm9 =	veq.s32 v50, v1  }
0x9c: {  	[tilespmem:$0x110] =	vst v7;
	vm10 =	veq.s32 v50, v2;
	v57 =	vbroadcast v22, $0xF;
	v16 =	vadd.f32 v16, v29  }
0x9d: {  	[tilespmem:$0x120] =	vst v6;
	vm11 =	veq.s32 v50, v3;
	v18 =	vadd.f32 v18, v37;
	v20 =	vadd.f32 v35, v39  }
0x9e: {  	[tilespmem:$0x130] =	vst v5;
	v17 =	vadd.f32 v17, v41;
	v54 =	vnsel vm8, $0x0, v52;
	v56 =	vnsel vm9, $0x0, v52  }
0x9f: {  	[tilespmem:$0x160] =	vst v11;
	v58 =	vnsel vm10, $0x0, v52;
	v60 =	vnsel vm11, $0x0, v52;
	v18 =	vadd.f32 v18, v43  }
0xa0: {  	[tilespmem:$0x140] =	vst v8;
	vm12 =	veq.s32 v57, v0;
	v16 =	vadd.f32 v16, v36;
	v20 =	vadd.f32 v20, v45  }
0xa1: {  	[tilespmem:$0x150] =	vst v9;
	vm13 =	veq.s32 v57, v1;
	v4 =	vadd.f32 v17, v47;
	v5 =	vadd.f32 v18, v49  }
0xa2: {  	[tilespmem:$0x170] =	vst v10;
	vm14 =	veq.s32 v57, v2;
	v16 =	vadd.f32 v16, v42;
	v6 =	vadd.f32 v20, v51  }
0xa3: {  	[tilespmem:$0x180] =	vst v12;
	vm15 =	veq.s32 v57, v3;
	v4 =	vadd.f32 v4, v53;
	v5 =	vadd.f32 v5, v56  }
0xa4: {  	[tilespmem:$0x190] =	vst v13;
	v62 =	vnsel vm13, $0x0, v59;
	v16 =	vadd.f32 v16, v48;
	v6 =	vadd.f32 v6, v58  }
0xa5: {  	[tilespmem:$0x1A0] =	vst v14;
	v63 =	vnsel vm14, $0x0, v59;
	v4 =	vadd.f32 v4, v60;
	v5 =	vadd.f32 v5, v62  }
0xa6: {  	[tilespmem:$0x1B0] =	vst v15;
	v8 =	vnsel vm15, $0x0, v59;
	v55 =	vadd.f32 v16, v54;
	v6 =	vadd.f32 v6, v63  }
0xa7: {  	v61 =	vnsel vm12, $0x0, v59;
	v4 =	vadd.f32 v4, v8;
	[tilespmem:$0x1D0] =	vst v5  }
0xa8: {  	v7 =	vadd.f32 v55, v61;
	[tilespmem:$0x1E0] =	vst v6  }
0xa9: {  	p0 =	sne.s32 s6, $0x1;
	[tilespmem:$0x1F0] =	vst v4  }
.Ltmp0:
0xaa: {  	[tilespmem:$0x1C0] =	vst v7;
	(pc) =	sbr.rel @p0 .LBB2_1-.Ltmp0, $4  }
0xab: {  	[hbm4b:s5+s2] =	stream.linear.scatter [tilespmem:s9], [sflag:$0x1], $0x100, $0x38;
	[tilespmem:$0x200] =	vst v63  }
0xac: {  	_ =	swait.ge [sflag:s7], $0x100  }
0xad: {  	[sflag:s7] =	ssyncset.done $0x0  }
0xae: {  	s6 =	sadd.s32 $0xFFFFFFFF, s6;
	[sflag:s7] =	ssyncadd.s32 $0xFFFFFF00  }
0xaf: {  	_ =	sfence.sel $0x180000  }
0xb0: {  	[bflag:$0x0] =	sbarrier.arrive $0xFFFF  }
0xb1: {  	p0 =	sne.s32 s0, $0x0;
	_ =	strace $0x90000047  }
0xb2: {  	s0 =	sadd.s32 @!p0 $0x100000, s1;
	[bflag:$0x2] =	sbarrier.arrive $0xFFFF  }
0xb3: {  	[sflag:s0] =	ssyncadd.tile.s32 @!p0 $0x1;
	_ =	shalt  }
.Lfunc_end2:
_tile_overlayer_lowered:
.L_overlay_start_2:
0xb4: {  	(tag) =	ssettag $0x2  }
0xb5: {  	s0 =	rddreg [dreg:$0x0];
	s2 =	stileid.u32  }
0xb6: {  	s1 =	rddreg [dreg:$0x1];
	p0 =	sne.s32 s2, $0x0  }
0xb7: {  	s3 =	rddreg [dreg:$0x2];
	[bflag:$0x3] =	sbarrier.arrive $0xFFFF;
	s2 =	simm.s32 @!p0 $0x1C01  }
0xb8: {  	[timem:s3], [sflag:s2] =	dma.local @!p0 [hbm:s0], s1  }
0xb9: {  	s0 =	simm.s32 @!p0 $0x1  }
0xba: {  	_ =	swait.ge @!p0 [sflag:s0], s1  }
0xbb: {  	s1 =	ssub.s32 @!p0 $0x0, s1;
	[sflag:s0] =	ssyncset.done @!p0 $0x0  }
0xbc: {  	[sflag:s0] =	ssyncadd.s32 @!p0 s1  }
0xbd: {  	[bflag:$0x3] =	sbarrier.arrive $0xFFFF  }
0xbe: {  	_ =	shalt  }

</sc_bundles>
